<compile_context>
chip_gen: v7x
topology: tpu7x:2x2x1
jax: 0.10.2.dev20260603
libtpu: 0.0.44.dev20260713+nightly
codegen_flags: <defaults>
</compile_context>

<pallas_src>
import functools

import jax
import jax.numpy as jnp
from jax import lax
from jax.experimental import pallas as pl
from jax.experimental.pallas import tpu as pltpu
from jax.experimental.pallas import tpu_sc as plsc

B = 512
S = 16
C = 32
D = 128
V = 100000
NEG = (C - 1) * S
T_INV = 1.0 / 0.07
MOM = 0.5

NGROUP = V // 8
_NC, _NS = 2, 16
NW = _NC * _NS
GATHER_PER_W = B // NW
GBASE = NGROUP // NW
GEXTRA = NGROUP - GBASE * NW
CHUNK = 312
NCHUNK = (GBASE * 8) // CHUNK
NBUF = 3


@functools.cache
def _sc_mesh():
    return plsc.VectorSubcoreMesh(core_axis_name="c", subcore_axis_name="s")


def _tc_body(x_ref, grp_ref, rows_ref, idxb_ref, a_ref, mem_ref, gidx_ref,
             outs_ref, probs_ref, newmem_ref, merged_ref, sem):
    del mem_ref
    x = x_ref[...]

    grp = grp_ref[...]
    v = MOM * rows_ref[...] + (1.0 - MOM) * x
    norm = jnp.sqrt(jnp.sum(v * v, axis=1, keepdims=True))
    new_rows = v / norm

    idx_row = idxb_ref[0:1, :]
    a = a_ref[...]
    m_match = a == idx_row
    kidx1 = lax.broadcasted_iota(jnp.int32, (8 * B, B), 1) + 1
    scores = jnp.where(m_match, kidx1, 0)
    kb = jnp.max(scores, axis=1, keepdims=True)
    w_sel = jnp.logical_and(m_match, scores == kb).astype(jnp.float32)
    upd = lax.dot_general(
        w_sel, new_rows, (((1,), (0,)), ((), ())),
        preferred_element_type=jnp.float32,
    )
    merged_ref[...] = jnp.where(kb > 0, upd, grp)

    def issue(j, carry):
        gj = gidx_ref[j]
        pltpu.make_async_copy(
            merged_ref.at[pl.ds(pl.multiple_of(8 * j, 8), 8)],
            newmem_ref.at[pl.ds(pl.multiple_of(gj * 8, 8), 8)],
            sem).start()
        return carry

    lax.fori_loop(0, B, issue, 0, unroll=8)

    G = lax.dot_general(
        x, x, (((1,), (1,)), ((), ())),
        preferred_element_type=jnp.float32,
        precision=lax.Precision.HIGHEST,
    )
    E = jnp.exp(G * T_INV)

    row_n = lax.broadcasted_iota(jnp.int32, (B, NEG), 0)
    col_n = lax.broadcasted_iota(jnp.int32, (B, NEG), 1)
    neg = jnp.where(col_n < (row_n // S) * S, E[:, :NEG], E[:, S:])

    rowb = lax.broadcasted_iota(jnp.int32, (B, S), 0) // S
    band = E[:, 0:S]
    for c in range(1, C):
        band = jnp.where(rowb == c, E[:, S * c:S * c + S], band)
    s_i = lax.broadcasted_iota(jnp.int32, (B, S - 1), 0) % S
    t_i = lax.broadcasted_iota(jnp.int32, (B, S - 1), 1)
    pos = jnp.where(t_i < s_i, band[:, :S - 1], band[:, 1:])

    total = jnp.sum(pos) + jnp.sum(neg)
    Z = (total / (B * (B - 1))) * float(V)
    pos_d = pos / Z
    neg_d = neg / Z
    outs_ref[:, :S - 1] = pos_d
    outs_ref[:, S - 1:] = neg_d

    rs = jnp.sum(pos_d, axis=1, keepdims=True) + jnp.sum(neg_d, axis=1, keepdims=True)
    probs_ref[...] = jnp.full((1, 1), jnp.mean(pos_d[:, 0:1] / rs), jnp.float32)

    def drain(j, carry):
        pltpu.make_async_copy(
            merged_ref.at[pl.ds(0, 8)], newmem_ref.at[pl.ds(0, 8)], sem).wait()
        return carry

    lax.fori_loop(0, B, drain, 0, unroll=8)


_tc_call = pl.pallas_call(
    _tc_body,
    in_specs=[
        pl.BlockSpec(memory_space=pltpu.MemorySpace.VMEM),
        pl.BlockSpec(memory_space=pltpu.MemorySpace.VMEM),
        pl.BlockSpec(memory_space=pltpu.MemorySpace.VMEM),
        pl.BlockSpec(memory_space=pltpu.MemorySpace.VMEM),
        pl.BlockSpec(memory_space=pltpu.MemorySpace.VMEM),
        pl.BlockSpec(memory_space=pl.ANY),
        pl.BlockSpec(memory_space=pltpu.SMEM),
    ],
    out_shape=[
        jax.ShapeDtypeStruct((B, B - 1), jnp.float32),
        jax.ShapeDtypeStruct((1, 1), jnp.float32),
        jax.ShapeDtypeStruct((V, D), jnp.float32),
    ],
    out_specs=[
        pl.BlockSpec(memory_space=pltpu.MemorySpace.VMEM),
        pl.BlockSpec(memory_space=pltpu.MemorySpace.VMEM),
        pl.BlockSpec(memory_space=pl.ANY),
    ],
    input_output_aliases={5: 2},
    scratch_shapes=[
        pltpu.VMEM((8 * B, D), jnp.float32),
        pltpu.SemaphoreType.DMA,
    ],
)


ROWS8_PER_W = 8 * B // NW


@functools.cache
def _sc_gather():
    @functools.partial(
        pl.kernel,
        out_type=[
            jax.ShapeDtypeStruct((8 * B, D), jnp.float32),
            jax.ShapeDtypeStruct((B, D), jnp.float32),
        ],
        mesh=_sc_mesh(),
        scratch_types=[
            pltpu.VMEM((ROWS8_PER_W,), jnp.int32),
            pltpu.VMEM((ROWS8_PER_W, D), jnp.float32),
            pltpu.VMEM((GATHER_PER_W,), jnp.int32),
            pltpu.VMEM((GATHER_PER_W, D), jnp.float32),
            pltpu.SemaphoreType.DMA,
            pltpu.SemaphoreType.DMA,
        ],
    )
    def gather_k(mem_hbm, ridx_hbm, idx_hbm, out_hbm, rows_out_hbm,
                 idx_v, rows_v, idx2_v, rows2_v, sem, sem2):
        wid = lax.axis_index("s") * _NC + lax.axis_index("c")
        b0 = wid * ROWS8_PER_W
        b1 = wid * GATHER_PER_W
        pltpu.sync_copy(ridx_hbm.at[pl.ds(b0, ROWS8_PER_W)], idx_v)
        pltpu.sync_copy(idx_hbm.at[pl.ds(b1, GATHER_PER_W)], idx2_v)
        cp1 = pltpu.async_copy(mem_hbm.at[idx_v], rows_v, sem)
        cp2 = pltpu.async_copy(mem_hbm.at[idx2_v], rows2_v, sem2)
        cp1.wait()
        pltpu.sync_copy(rows_v, out_hbm.at[pl.ds(b0, ROWS8_PER_W)])
        cp2.wait()
        pltpu.sync_copy(rows2_v, rows_out_hbm.at[pl.ds(b1, GATHER_PER_W)])

    return gather_k


def kernel(x, idxs, memory, pos_indices, neg_indices):
    del pos_indices, neg_indices
    idxs32 = idxs.astype(jnp.int32)
    gidx = idxs32 // 8
    rows8 = ((gidx * 8)[:, None] + jnp.arange(8, dtype=jnp.int32)).reshape(8 * B)
    groups, rows = _sc_gather()(memory, rows8, idxs32)
    idxb = jnp.broadcast_to(idxs32[None, :], (8, B))
    a_col = rows8[:, None]
    outs, probs, new_memory = _tc_call(x, groups, rows, idxb, a_col, memory, gidx)
    return outs, probs[0, 0], new_memory

# --- scband reference (transcript-rebuilt; emitter-appended) ---
"""Pipeline reference for scband-average-88227218195016 (READ-ONLY COPY).

The authoritative reference and input builder live on the scoring server;
editing this copy changes nothing except your own understanding.
"""

import math
import jax, jax.numpy as jnp
import numpy as np

INPUT_SIZE = 128
OUTPUT_SIZE = 100000
SAMPLE_NUM = 16
CLASS_NUM = 32
T = 0.07
Z_MOMENTUM = 0.9
MEMORY_MOMENTUM = 0.5


def build_indices(class_num, sample_num):
    N = class_num * sample_num
    idx = np.arange(N).reshape(class_num, sample_num)
    pos = np.zeros((N, sample_num - 1), dtype=np.int64)
    neg = np.zeros((N, (class_num - 1) * sample_num), dtype=np.int64)
    for i in range(N):
        c = i // sample_num
        row = idx[c].tolist()
        row.remove(i)
        pos[i] = np.array(row, dtype=np.int64)
        neg[i] = np.concatenate([idx[j] for j in range(class_num) if j != c])
    return jnp.asarray(pos), jnp.asarray(neg)


def setup_inputs(seed: int = 0) -> dict:
    key = jax.random.key(seed)
    k1, k2, k3 = jax.random.split(key, 3)
    B = SAMPLE_NUM * CLASS_NUM
    x = jax.random.normal(k1, (B, INPUT_SIZE), dtype=jnp.float32)
    idxs = jax.random.randint(k2, (B,), 0, OUTPUT_SIZE, dtype=jnp.int64)
    stdv = 1.0 / math.sqrt(INPUT_SIZE / 3)
    memory = jax.random.uniform(k3, (OUTPUT_SIZE, INPUT_SIZE), dtype=jnp.float32) * (2 * stdv) - stdv
    pos_indices, neg_indices = build_indices(CLASS_NUM, SAMPLE_NUM)
    return {"x": x, "idxs": idxs, "memory": memory, "pos_indices": pos_indices, "neg_indices": neg_indices}


def l2_normalize(v):
    return v / jnp.linalg.norm(v, axis=1, keepdims=True)


def reference(x, idxs, memory, pos_indices, neg_indices):
    embeddings = x
    # compute_data_prob: gather positives [B, S-1, D], bmm with embeddings [B, D, 1]
    positives = embeddings[pos_indices]
    pos_logits = jnp.einsum("bnd,bd->bn", positives, embeddings)
    # compute_noise_prob: gather negatives [B, (C-1)*S, D]
    negatives = embeddings[neg_indices]
    neg_logits = jnp.einsum("bnd,bd->bn", negatives, embeddings)
    # nce_core
    logits = jnp.concatenate([pos_logits, neg_logits], axis=-1)
    outs = jnp.exp(logits / T)
    # params[0] == -1 initially -> Z set from first batch, detached
    Z = jax.lax.stop_gradient(outs.mean() * OUTPUT_SIZE)
    outs = outs / Z
    probs_mat = outs / jnp.sum(outs, axis=1, keepdims=True)
    probs = probs_mat[:, 0].mean()
    # update_new_data_memory (no_grad in torch)
    data_memory = jnp.take(memory, idxs, axis=0)
    new_data_memory = data_memory * MEMORY_MOMENTUM + (1 - MEMORY_MOMENTUM) * jax.lax.stop_gradient(embeddings)
    new_data_memory = l2_normalize(new_data_memory)
    new_memory = memory.at[idxs].set(new_data_memory)
    return (outs, probs, new_memory)

if __name__ == "__main__":
    import jax
    _d = setup_inputs()
    print(jax.jit(kernel)(*tuple(_d.values())))

</pallas_src>

<mosaic_0001>
#map = affine_map<(d0, d1) -> (0, 0)>
#map1 = affine_map<(d0, d1) -> (0)>
module attributes {stable_mosaic.version = 14 : i64} {
  func.func @gather_k(%arg0: i32, %arg1: i32, %arg2: memref<100000x128xf32, #tpu.memory_space<hbm>>, %arg3: memref<4096xi32, #tpu.memory_space<hbm>>, %arg4: memref<512xi32, #tpu.memory_space<hbm>>, %arg5: memref<4096x128xf32, #tpu.memory_space<hbm>>, %arg6: memref<512x128xf32, #tpu.memory_space<hbm>>, %arg7: memref<128xi32, #tpu.memory_space<vmem>>, %arg8: memref<128x128xf32, #tpu.memory_space<vmem>>, %arg9: memref<16xi32, #tpu.memory_space<vmem>>, %arg10: memref<16x128xf32, #tpu.memory_space<vmem>>, %arg11: memref<!tpu.dma_semaphore, #tpu.memory_space<semaphore_mem>>, %arg12: memref<!tpu.dma_semaphore, #tpu.memory_space<semaphore_mem>>) attributes {dimension_semantics = [#tpu.dimension_semantics<core_parallel>, #tpu.dimension_semantics<subcore_parallel>], iteration_bounds = array<i64: 2, 16>, scalar_prefetch = 0 : i64, scratch_operands = 6 : i64, tpu.core_type = #tpu.core_type<sc_vector_subcore>, window_params = [{transform_indices = #map}, {transform_indices = #map1}, {transform_indices = #map1}, {transform_indices = #map}, {transform_indices = #map}]} {
    %mul3A = arith.constant 2 : i32
    %mul3A_0 = arith.muli %arg1, %mul3A : i32
    %add3A = arith.addi %mul3A_0, %arg0 : i32
    %mul3A_1 = arith.constant 128 : i32
    %mul3A_2 = arith.muli %add3A, %mul3A_1 : i32
    %mul3A_3 = arith.constant 16 : i32
    %mul3A_4 = arith.muli %add3A, %mul3A_3 : i32
    "tpu.region"() ({
      %run_scoped3A = tpu.sem_alloc : memref<!tpu.dma_semaphore, #tpu.memory_space<semaphore_mem>>
      %dma_start3A_15 = tpu.memref_slice %arg3[%mul3A_2] : memref<4096xi32, #tpu.memory_space<hbm>> -> memref<128xi32, #tpu.memory_space<hbm>>
      %dma_start3A_16 = tpu.memref_slice %arg3[%mul3A_2] : memref<4096xi32, #tpu.memory_space<hbm>> -> memref<128xi32, #tpu.memory_space<hbm>>
      tpu.enqueue_dma source(%dma_start3A_16 : memref<128xi32, #tpu.memory_space<hbm>>) target(%arg7 : memref<128xi32, #tpu.memory_space<vmem>>) target_semaphore(%run_scoped3A : memref<!tpu.dma_semaphore, #tpu.memory_space<semaphore_mem>>)
      %dma_wait3A_17 = tpu.memref_slice %arg3[%mul3A_2] : memref<4096xi32, #tpu.memory_space<hbm>> -> memref<128xi32, #tpu.memory_space<hbm>>
      %dma_wait3A_18 = tpu.memref_slice %arg3[%mul3A_2] : memref<4096xi32, #tpu.memory_space<hbm>> -> memref<128xi32, #tpu.memory_space<hbm>>
      tpu.wait_dma2 semaphore(%run_scoped3A : memref<!tpu.dma_semaphore, #tpu.memory_space<semaphore_mem>>) src(%dma_wait3A_18 : memref<128xi32, #tpu.memory_space<hbm>>) dst(%arg7 : memref<128xi32, #tpu.memory_space<vmem>>)
      tpu.yield
    }) : () -> ()
    "tpu.region"() ({
      %run_scoped3A = tpu.sem_alloc : memref<!tpu.dma_semaphore, #tpu.memory_space<semaphore_mem>>
      %dma_start3A_15 = tpu.memref_slice %arg4[%mul3A_4] : memref<512xi32, #tpu.memory_space<hbm>> -> memref<16xi32, #tpu.memory_space<hbm>>
      %dma_start3A_16 = tpu.memref_slice %arg4[%mul3A_4] : memref<512xi32, #tpu.memory_space<hbm>> -> memref<16xi32, #tpu.memory_space<hbm>>
      tpu.enqueue_dma source(%dma_start3A_16 : memref<16xi32, #tpu.memory_space<hbm>>) target(%arg9 : memref<16xi32, #tpu.memory_space<vmem>>) target_semaphore(%run_scoped3A : memref<!tpu.dma_semaphore, #tpu.memory_space<semaphore_mem>>)
      %dma_wait3A_17 = tpu.memref_slice %arg4[%mul3A_4] : memref<512xi32, #tpu.memory_space<hbm>> -> memref<16xi32, #tpu.memory_space<hbm>>
      %dma_wait3A_18 = tpu.memref_slice %arg4[%mul3A_4] : memref<512xi32, #tpu.memory_space<hbm>> -> memref<16xi32, #tpu.memory_space<hbm>>
      tpu.wait_dma2 semaphore(%run_scoped3A : memref<!tpu.dma_semaphore, #tpu.memory_space<semaphore_mem>>) src(%dma_wait3A_18 : memref<16xi32, #tpu.memory_space<hbm>>) dst(%arg9 : memref<16xi32, #tpu.memory_space<vmem>>)
      tpu.yield
    }) : () -> ()
    %dma_start3A = arith.constant 0 : i32
    %dma_start3A_5 = arith.constant 0 : i32
    %dma_start3A_6 = tpu.memref_slice %arg2[%dma_start3A, %dma_start3A_5] : memref<100000x128xf32, #tpu.memory_space<hbm>> -> memref<100000x128xf32, #tpu.memory_space<hbm>>
    tpu.enqueue_indirect_dma source(%dma_start3A_6 : memref<100000x128xf32, #tpu.memory_space<hbm>>) target(%arg8 : memref<128x128xf32, #tpu.memory_space<vmem>>) offsets(%arg7 : memref<128xi32, #tpu.memory_space<vmem>>) semaphore(%arg11 : memref<!tpu.dma_semaphore, #tpu.memory_space<semaphore_mem>>)
    %dma_start3A_7 = arith.constant 0 : i32
    %dma_start3A_8 = arith.constant 0 : i32
    %dma_start3A_9 = tpu.memref_slice %arg2[%dma_start3A_7, %dma_start3A_8] : memref<100000x128xf32, #tpu.memory_space<hbm>> -> memref<100000x128xf32, #tpu.memory_space<hbm>>
    tpu.enqueue_indirect_dma source(%dma_start3A_9 : memref<100000x128xf32, #tpu.memory_space<hbm>>) target(%arg10 : memref<16x128xf32, #tpu.memory_space<vmem>>) offsets(%arg9 : memref<16xi32, #tpu.memory_space<vmem>>) semaphore(%arg12 : memref<!tpu.dma_semaphore, #tpu.memory_space<semaphore_mem>>)
    %dma_wait3A = arith.constant 0 : i32
    %dma_wait3A_10 = arith.constant 0 : i32
    %dma_wait3A_11 = tpu.memref_slice %arg2[%dma_wait3A, %dma_wait3A_10] : memref<100000x128xf32, #tpu.memory_space<hbm>> -> memref<100000x128xf32, #tpu.memory_space<hbm>>
    tpu.wait_indirect_dma semaphore(%arg11 : memref<!tpu.dma_semaphore, #tpu.memory_space<semaphore_mem>>) src(%dma_wait3A_11 : memref<100000x128xf32, #tpu.memory_space<hbm>>) dst(%arg8 : memref<128x128xf32, #tpu.memory_space<vmem>>)
    "tpu.region"() ({
      %run_scoped3A = tpu.sem_alloc : memref<!tpu.dma_semaphore, #tpu.memory_space<semaphore_mem>>
      %dma_start3A_15 = arith.constant 0 : i32
      %dma_start3A_16 = tpu.memref_slice %arg5[%mul3A_2, %dma_start3A_15] : memref<4096x128xf32, #tpu.memory_space<hbm>> -> memref<128x128xf32, #tpu.memory_space<hbm>>
      %dma_start3A_17 = arith.constant 0 : i32
      %dma_start3A_18 = tpu.memref_slice %arg5[%mul3A_2, %dma_start3A_17] : memref<4096x128xf32, #tpu.memory_space<hbm>> -> memref<128x128xf32, #tpu.memory_space<hbm>>
      tpu.enqueue_dma source(%arg8 : memref<128x128xf32, #tpu.memory_space<vmem>>) target(%dma_start3A_18 : memref<128x128xf32, #tpu.memory_space<hbm>>) target_semaphore(%run_scoped3A : memref<!tpu.dma_semaphore, #tpu.memory_space<semaphore_mem>>)
      %dma_wait3A_19 = arith.constant 0 : i32
      %dma_wait3A_20 = tpu.memref_slice %arg5[%mul3A_2, %dma_wait3A_19] : memref<4096x128xf32, #tpu.memory_space<hbm>> -> memref<128x128xf32, #tpu.memory_space<hbm>>
      %dma_wait3A_21 = arith.constant 0 : i32
      %dma_wait3A_22 = tpu.memref_slice %arg5[%mul3A_2, %dma_wait3A_21] : memref<4096x128xf32, #tpu.memory_space<hbm>> -> memref<128x128xf32, #tpu.memory_space<hbm>>
      tpu.wait_dma2 semaphore(%run_scoped3A : memref<!tpu.dma_semaphore, #tpu.memory_space<semaphore_mem>>) src(%arg8 : memref<128x128xf32, #tpu.memory_space<vmem>>) dst(%dma_wait3A_22 : memref<128x128xf32, #tpu.memory_space<hbm>>)
      tpu.yield
    }) : () -> ()
    %dma_wait3A_12 = arith.constant 0 : i32
    %dma_wait3A_13 = arith.constant 0 : i32
    %dma_wait3A_14 = tpu.memref_slice %arg2[%dma_wait3A_12, %dma_wait3A_13] : memref<100000x128xf32, #tpu.memory_space<hbm>> -> memref<100000x128xf32, #tpu.memory_space<hbm>>
    tpu.wait_indirect_dma semaphore(%arg12 : memref<!tpu.dma_semaphore, #tpu.memory_space<semaphore_mem>>) src(%dma_wait3A_14 : memref<100000x128xf32, #tpu.memory_space<hbm>>) dst(%arg10 : memref<16x128xf32, #tpu.memory_space<vmem>>)
    "tpu.region"() ({
      %run_scoped3A = tpu.sem_alloc : memref<!tpu.dma_semaphore, #tpu.memory_space<semaphore_mem>>
      %dma_start3A_15 = arith.constant 0 : i32
      %dma_start3A_16 = tpu.memref_slice %arg6[%mul3A_4, %dma_start3A_15] : memref<512x128xf32, #tpu.memory_space<hbm>> -> memref<16x128xf32, #tpu.memory_space<hbm>>
      %dma_start3A_17 = arith.constant 0 : i32
      %dma_start3A_18 = tpu.memref_slice %arg6[%mul3A_4, %dma_start3A_17] : memref<512x128xf32, #tpu.memory_space<hbm>> -> memref<16x128xf32, #tpu.memory_space<hbm>>
      tpu.enqueue_dma source(%arg10 : memref<16x128xf32, #tpu.memory_space<vmem>>) target(%dma_start3A_18 : memref<16x128xf32, #tpu.memory_space<hbm>>) target_semaphore(%run_scoped3A : memref<!tpu.dma_semaphore, #tpu.memory_space<semaphore_mem>>)
      %dma_wait3A_19 = arith.constant 0 : i32
      %dma_wait3A_20 = tpu.memref_slice %arg6[%mul3A_4, %dma_wait3A_19] : memref<512x128xf32, #tpu.memory_space<hbm>> -> memref<16x128xf32, #tpu.memory_space<hbm>>
      %dma_wait3A_21 = arith.constant 0 : i32
      %dma_wait3A_22 = tpu.memref_slice %arg6[%mul3A_4, %dma_wait3A_21] : memref<512x128xf32, #tpu.memory_space<hbm>> -> memref<16x128xf32, #tpu.memory_space<hbm>>
      tpu.wait_dma2 semaphore(%run_scoped3A : memref<!tpu.dma_semaphore, #tpu.memory_space<semaphore_mem>>) src(%arg10 : memref<16x128xf32, #tpu.memory_space<vmem>>) dst(%dma_wait3A_22 : memref<16x128xf32, #tpu.memory_space<hbm>>)
      tpu.yield
    }) : () -> ()
    return
  }
}

module attributes {stable_mosaic.version = 14 : i64} {
  func.func @_tc_body(%arg0: memref<512x128xf32, #tpu.memory_space<vmem>>, %arg1: memref<4096x128xf32, #tpu.memory_space<vmem>>, %arg2: memref<512x128xf32, #tpu.memory_space<vmem>>, %arg3: memref<8x512xi32, #tpu.memory_space<vmem>>, %arg4: memref<4096x1xi32, #tpu.memory_space<vmem>>, %arg5: memref<100000x128xf32, #tpu.memory_space<any>>, %arg6: memref<512xi32, #tpu.memory_space<smem>>, %arg7: memref<512x511xf32, #tpu.memory_space<vmem>>, %arg8: memref<1x1xf32, #tpu.memory_space<vmem>>, %arg9: memref<100000x128xf32, #tpu.memory_space<any>>, %arg10: memref<4096x128xf32, #tpu.memory_space<vmem>>, %arg11: memref<!tpu.dma_semaphore, #tpu.memory_space<semaphore_mem>>) attributes {dimension_semantics = [], scalar_prefetch = 0 : i64, scratch_operands = 2 : i64, tpu.core_type = #tpu.core_type<tc>} {
    %get3A = arith.constant 0 : index
    %get3A_0 = arith.constant 0 : index
    %get3A_1 = vector.load %arg0[%get3A, %get3A_0] : memref<512x128xf32, #tpu.memory_space<vmem>>, vector<512x128xf32>
    %get3A_2 = arith.constant 0 : index
    %get3A_3 = arith.constant 0 : index
    %get3A_4 = vector.load %arg1[%get3A_2, %get3A_3] : memref<4096x128xf32, #tpu.memory_space<vmem>>, vector<4096x128xf32>
    %get3A_5 = arith.constant 0 : index
    %get3A_6 = arith.constant 0 : index
    %get3A_7 = vector.load %arg2[%get3A_5, %get3A_6] : memref<512x128xf32, #tpu.memory_space<vmem>>, vector<512x128xf32>
    %mul3A = arith.constant 5.000000e-01 : f32
    %mul3A_8 = vector.broadcast %mul3A : f32 to vector<512x128xf32>
    %mul3A_9 = arith.mulf %mul3A_8, %get3A_7 : vector<512x128xf32>
    %mul3A_10 = arith.constant 5.000000e-01 : f32
    %mul3A_11 = vector.broadcast %mul3A_10 : f32 to vector<512x128xf32>
    %mul3A_12 = arith.mulf %mul3A_11, %get3A_1 : vector<512x128xf32>
    %add3A = arith.addf %mul3A_9, %mul3A_12 : vector<512x128xf32>
    %mul3A_13 = arith.mulf %add3A, %add3A : vector<512x128xf32>
    %reduce_sum3A = arith.constant dense<0.000000e+00> : vector<512xf32>
    %reduce_sum3A_14 = vector.multi_reduction <add>, %mul3A_13, %reduce_sum3A [1] : vector<512x128xf32> to vector<512xf32>
    %broadcast_in_dim3A = vector.shape_cast %reduce_sum3A_14 : vector<512xf32> to vector<512x1xf32>
    %sqrt3A = math.sqrt %broadcast_in_dim3A : vector<512x1xf32>
    %div3A = vector.broadcast %sqrt3A : vector<512x1xf32> to vector<512x128xf32>
    %div3A_15 = arith.divf %add3A, %div3A : vector<512x128xf32>
    %get3A_16 = arith.constant 0 : index
    %get3A_17 = arith.constant 0 : index
    %get3A_18 = vector.load %arg3[%get3A_16, %get3A_17] : memref<8x512xi32, #tpu.memory_space<vmem>>, vector<1x512xi32>
    %get3A_19 = arith.constant 0 : index
    %get3A_20 = arith.constant 0 : index
    %get3A_21 = vector.load %arg4[%get3A_19, %get3A_20] : memref<4096x1xi32, #tpu.memory_space<vmem>>, vector<4096x1xi32>
    %eq3A = vector.broadcast %get3A_21 : vector<4096x1xi32> to vector<4096x512xi32>
    %eq3A_22 = vector.broadcast %get3A_18 : vector<1x512xi32> to vector<4096x512xi32>
    %eq3A_23 = arith.cmpi eq, %eq3A, %eq3A_22 : vector<4096x512xi32>
    %iota3A = tpu.iota {dimensions = array<i32: 1>} : vector<4096x512xi32>
    %add3A_24 = arith.constant 1 : i32
    %add3A_25 = vector.broadcast %add3A_24 : i32 to vector<4096x512xi32>
    %add3A_26 = arith.addi %iota3A, %add3A_25 : vector<4096x512xi32>
    %jit3A = arith.constant 0 : i32
    %broadcast_in_dim3A_27 = vector.broadcast %jit3A : i32 to vector<4096x512xi32>
    %select_n3A = arith.select %eq3A_23, %add3A_26, %broadcast_in_dim3A_27 : vector<4096x512xi1>, vector<4096x512xi32>
    %reduce_max3A = arith.constant dense<-2147483648> : vector<4096xi32>
    %reduce_max3A_28 = vector.multi_reduction <maxsi>, %select_n3A, %reduce_max3A [1] : vector<4096x512xi32> to vector<4096xi32>
    %broadcast_in_dim3A_29 = vector.shape_cast %reduce_max3A_28 : vector<4096xi32> to vector<4096x1xi32>
    %eq3A_30 = vector.broadcast %broadcast_in_dim3A_29 : vector<4096x1xi32> to vector<4096x512xi32>
    %eq3A_31 = arith.cmpi eq, %select_n3A, %eq3A_30 : vector<4096x512xi32>
    %and3A = arith.andi %eq3A_23, %eq3A_31 : vector<4096x512xi1>
    %convert_element_type3A = arith.extui %and3A : vector<4096x512xi1> to vector<4096x512xi32>
    %convert_element_type3A_32 = arith.sitofp %convert_element_type3A : vector<4096x512xi32> to vector<4096x512xf32>
    %dot_general3A = arith.constant dense<0.000000e+00> : vector<4096x128xf32>
    %dot_general3A_33 = tpu.matmul %convert_element_type3A_32, %div3A_15, %dot_general3A {dimension_numbers = #tpu.dot_dimension_numbers<[1], [0], [0], [1], [0, 0, 1, 1], [], []>, transpose_lhs_hint = false} : vector<4096x512xf32>, vector<512x128xf32>, vector<4096x128xf32> -> vector<4096x128xf32>
    %gt3A = arith.constant 0 : i32
    %gt3A_34 = vector.broadcast %gt3A : i32 to vector<4096x1xi32>
    %gt3A_35 = arith.cmpi sgt, %broadcast_in_dim3A_29, %gt3A_34 : vector<4096x1xi32>
    %broadcast_in_dim3A_36 = vector.shape_cast %gt3A_35 : vector<4096x1xi1> to vector<4096x1xi1>
    %broadcast_in_dim3A_37 = vector.broadcast %broadcast_in_dim3A_36 : vector<4096x1xi1> to vector<4096x128xi1>
    %select_n3A_38 = arith.select %broadcast_in_dim3A_37, %dot_general3A_33, %get3A_4 : vector<4096x128xi1>, vector<4096x128xf32>
    %swap3A = arith.constant 0 : index
    %swap3A_39 = arith.constant 0 : index
    %swap3A_40 = vector.load %arg10[%swap3A, %swap3A_39] : memref<4096x128xf32, #tpu.memory_space<vmem>>, vector<4096x128xf32>
    tpu.vector_store %arg10[%swap3A, %swap3A_39], %select_n3A_38 {strides = array<i32>} : memref<4096x128xf32, #tpu.memory_space<vmem>>, vector<4096x128xf32>,
    %scan3A = arith.constant 0 : i32
    %scan3A_41 = arith.constant 512 : i32
    %scan3A_42 = arith.addi %scan3A, %scan3A_41 : i32
    %scan3A_43 = arith.constant 8 : i32
    scf.for %scan3A_349 = %scan3A to %scan3A_42 step %scan3A_43  : i32 {
      %get3A_350 = arith.index_cast %scan3A_349 : i32 to index
      %get3A_351 = memref.load %arg6[%get3A_350] : memref<512xi32, #tpu.memory_space<smem>>
      %mul3A_352 = arith.constant 8 : i32
      %mul3A_353 = arith.muli %mul3A_352, %scan3A_349 : i32
      %multiple_of3A = tpu.assume_multiple %mul3A_353, 8 : i32
      %mul3A_354 = arith.constant 8 : i32
      %mul3A_355 = arith.muli %get3A_351, %mul3A_354 : i32
      %multiple_of3A_356 = tpu.assume_multiple %mul3A_355, 8 : i32
      %dma_start3A = arith.constant 0 : i32
      %dma_start3A_357 = tpu.memref_slice %arg9[%multiple_of3A_356, %dma_start3A] : memref<100000x128xf32, #tpu.memory_space<any>> -> memref<8x128xf32, #tpu.memory_space<any>>
      %dma_start3A_358 = arith.constant 0 : i32
      %dma_start3A_359 = tpu.memref_slice %arg10[%multiple_of3A, %dma_start3A_358] : memref<4096x128xf32, #tpu.memory_space<vmem>> -> memref<8x128xf32, #tpu.memory_space<vmem>>
      tpu.enqueue_dma source(%dma_start3A_359 : memref<8x128xf32, #tpu.memory_space<vmem>>) target(%dma_start3A_357 : memref<8x128xf32, #tpu.memory_space<any>>) target_semaphore(%arg11 : memref<!tpu.dma_semaphore, #tpu.memory_space<semaphore_mem>>)
      %scan3A_360 = arith.constant 1 : i32
      %scan3A_361 = arith.addi %scan3A_349, %scan3A_360 : i32
      %get3A_362 = arith.index_cast %scan3A_361 : i32 to index
      %get3A_363 = memref.load %arg6[%get3A_362] : memref<512xi32, #tpu.memory_space<smem>>
      %mul3A_364 = arith.constant 8 : i32
      %mul3A_365 = arith.muli %mul3A_364, %scan3A_361 : i32
      %multiple_of3A_366 = tpu.assume_multiple %mul3A_365, 8 : i32
      %mul3A_367 = arith.constant 8 : i32
      %mul3A_368 = arith.muli %get3A_363, %mul3A_367 : i32
      %multiple_of3A_369 = tpu.assume_multiple %mul3A_368, 8 : i32
      %dma_start3A_370 = arith.constant 0 : i32
      %dma_start3A_371 = tpu.memref_slice %arg9[%multiple_of3A_369, %dma_start3A_370] : memref<100000x128xf32, #tpu.memory_space<any>> -> memref<8x128xf32, #tpu.memory_space<any>>
      %dma_start3A_372 = arith.constant 0 : i32
      %dma_start3A_373 = tpu.memref_slice %arg10[%multiple_of3A_366, %dma_start3A_372] : memref<4096x128xf32, #tpu.memory_space<vmem>> -> memref<8x128xf32, #tpu.memory_space<vmem>>
      tpu.enqueue_dma source(%dma_start3A_373 : memref<8x128xf32, #tpu.memory_space<vmem>>) target(%dma_start3A_371 : memref<8x128xf32, #tpu.memory_space<any>>) target_semaphore(%arg11 : memref<!tpu.dma_semaphore, #tpu.memory_space<semaphore_mem>>)
      %scan3A_374 = arith.constant 2 : i32
      %scan3A_375 = arith.addi %scan3A_349, %scan3A_374 : i32
      %get3A_376 = arith.index_cast %scan3A_375 : i32 to index
      %get3A_377 = memref.load %arg6[%get3A_376] : memref<512xi32, #tpu.memory_space<smem>>
      %mul3A_378 = arith.constant 8 : i32
      %mul3A_379 = arith.muli %mul3A_378, %scan3A_375 : i32
      %multiple_of3A_380 = tpu.assume_multiple %mul3A_379, 8 : i32
      %mul3A_381 = arith.constant 8 : i32
      %mul3A_382 = arith.muli %get3A_377, %mul3A_381 : i32
      %multiple_of3A_383 = tpu.assume_multiple %mul3A_382, 8 : i32
      %dma_start3A_384 = arith.constant 0 : i32
      %dma_start3A_385 = tpu.memref_slice %arg9[%multiple_of3A_383, %dma_start3A_384] : memref<100000x128xf32, #tpu.memory_space<any>> -> memref<8x128xf32, #tpu.memory_space<any>>
      %dma_start3A_386 = arith.constant 0 : i32
      %dma_start3A_387 = tpu.memref_slice %arg10[%multiple_of3A_380, %dma_start3A_386] : memref<4096x128xf32, #tpu.memory_space<vmem>> -> memref<8x128xf32, #tpu.memory_space<vmem>>
      tpu.enqueue_dma source(%dma_start3A_387 : memref<8x128xf32, #tpu.memory_space<vmem>>) target(%dma_start3A_385 : memref<8x128xf32, #tpu.memory_space<any>>) target_semaphore(%arg11 : memref<!tpu.dma_semaphore, #tpu.memory_space<semaphore_mem>>)
      %scan3A_388 = arith.constant 3 : i32
      %scan3A_389 = arith.addi %scan3A_349, %scan3A_388 : i32
      %get3A_390 = arith.index_cast %scan3A_389 : i32 to index
      %get3A_391 = memref.load %arg6[%get3A_390] : memref<512xi32, #tpu.memory_space<smem>>
      %mul3A_392 = arith.constant 8 : i32
      %mul3A_393 = arith.muli %mul3A_392, %scan3A_389 : i32
      %multiple_of3A_394 = tpu.assume_multiple %mul3A_393, 8 : i32
      %mul3A_395 = arith.constant 8 : i32
      %mul3A_396 = arith.muli %get3A_391, %mul3A_395 : i32
      %multiple_of3A_397 = tpu.assume_multiple %mul3A_396, 8 : i32
      %dma_start3A_398 = arith.constant 0 : i32
      %dma_start3A_399 = tpu.memref_slice %arg9[%multiple_of3A_397, %dma_start3A_398] : memref<100000x128xf32, #tpu.memory_space<any>> -> memref<8x128xf32, #tpu.memory_space<any>>
      %dma_start3A_400 = arith.constant 0 : i32
      %dma_start3A_401 = tpu.memref_slice %arg10[%multiple_of3A_394, %dma_start3A_400] : memref<4096x128xf32, #tpu.memory_space<vmem>> -> memref<8x128xf32, #tpu.memory_space<vmem>>
      tpu.enqueue_dma source(%dma_start3A_401 : memref<8x128xf32, #tpu.memory_space<vmem>>) target(%dma_start3A_399 : memref<8x128xf32, #tpu.memory_space<any>>) target_semaphore(%arg11 : memref<!tpu.dma_semaphore, #tpu.memory_space<semaphore_mem>>)
      %scan3A_402 = arith.constant 4 : i32
      %scan3A_403 = arith.addi %scan3A_349, %scan3A_402 : i32
      %get3A_404 = arith.index_cast %scan3A_403 : i32 to index
      %get3A_405 = memref.load %arg6[%get3A_404] : memref<512xi32, #tpu.memory_space<smem>>
      %mul3A_406 = arith.constant 8 : i32
      %mul3A_407 = arith.muli %mul3A_406, %scan3A_403 : i32
      %multiple_of3A_408 = tpu.assume_multiple %mul3A_407, 8 : i32
      %mul3A_409 = arith.constant 8 : i32
      %mul3A_410 = arith.muli %get3A_405, %mul3A_409 : i32
      %multiple_of3A_411 = tpu.assume_multiple %mul3A_410, 8 : i32
      %dma_start3A_412 = arith.constant 0 : i32
      %dma_start3A_413 = tpu.memref_slice %arg9[%multiple_of3A_411, %dma_start3A_412] : memref<100000x128xf32, #tpu.memory_space<any>> -> memref<8x128xf32, #tpu.memory_space<any>>
      %dma_start3A_414 = arith.constant 0 : i32
      %dma_start3A_415 = tpu.memref_slice %arg10[%multiple_of3A_408, %dma_start3A_414] : memref<4096x128xf32, #tpu.memory_space<vmem>> -> memref<8x128xf32, #tpu.memory_space<vmem>>
      tpu.enqueue_dma source(%dma_start3A_415 : memref<8x128xf32, #tpu.memory_space<vmem>>) target(%dma_start3A_413 : memref<8x128xf32, #tpu.memory_space<any>>) target_semaphore(%arg11 : memref<!tpu.dma_semaphore, #tpu.memory_space<semaphore_mem>>)
      %scan3A_416 = arith.constant 5 : i32
      %scan3A_417 = arith.addi %scan3A_349, %scan3A_416 : i32
      %get3A_418 = arith.index_cast %scan3A_417 : i32 to index
      %get3A_419 = memref.load %arg6[%get3A_418] : memref<512xi32, #tpu.memory_space<smem>>
      %mul3A_420 = arith.constant 8 : i32
      %mul3A_421 = arith.muli %mul3A_420, %scan3A_417 : i32
      %multiple_of3A_422 = tpu.assume_multiple %mul3A_421, 8 : i32
      %mul3A_423 = arith.constant 8 : i32
      %mul3A_424 = arith.muli %get3A_419, %mul3A_423 : i32
      %multiple_of3A_425 = tpu.assume_multiple %mul3A_424, 8 : i32
      %dma_start3A_426 = arith.constant 0 : i32
      %dma_start3A_427 = tpu.memref_slice %arg9[%multiple_of3A_425, %dma_start3A_426] : memref<100000x128xf32, #tpu.memory_space<any>> -> memref<8x128xf32, #tpu.memory_space<any>>
      %dma_start3A_428 = arith.constant 0 : i32
      %dma_start3A_429 = tpu.memref_slice %arg10[%multiple_of3A_422, %dma_start3A_428] : memref<4096x128xf32, #tpu.memory_space<vmem>> -> memref<8x128xf32, #tpu.memory_space<vmem>>
      tpu.enqueue_dma source(%dma_start3A_429 : memref<8x128xf32, #tpu.memory_space<vmem>>) target(%dma_start3A_427 : memref<8x128xf32, #tpu.memory_space<any>>) target_semaphore(%arg11 : memref<!tpu.dma_semaphore, #tpu.memory_space<semaphore_mem>>)
      %scan3A_430 = arith.constant 6 : i32
      %scan3A_431 = arith.addi %scan3A_349, %scan3A_430 : i32
      %get3A_432 = arith.index_cast %scan3A_431 : i32 to index
      %get3A_433 = memref.load %arg6[%get3A_432] : memref<512xi32, #tpu.memory_space<smem>>
      %mul3A_434 = arith.constant 8 : i32
      %mul3A_435 = arith.muli %mul3A_434, %scan3A_431 : i32
      %multiple_of3A_436 = tpu.assume_multiple %mul3A_435, 8 : i32
      %mul3A_437 = arith.constant 8 : i32
      %mul3A_438 = arith.muli %get3A_433, %mul3A_437 : i32
      %multiple_of3A_439 = tpu.assume_multiple %mul3A_438, 8 : i32
      %dma_start3A_440 = arith.constant 0 : i32
      %dma_start3A_441 = tpu.memref_slice %arg9[%multiple_of3A_439, %dma_start3A_440] : memref<100000x128xf32, #tpu.memory_space<any>> -> memref<8x128xf32, #tpu.memory_space<any>>
      %dma_start3A_442 = arith.constant 0 : i32
      %dma_start3A_443 = tpu.memref_slice %arg10[%multiple_of3A_436, %dma_start3A_442] : memref<4096x128xf32, #tpu.memory_space<vmem>> -> memref<8x128xf32, #tpu.memory_space<vmem>>
      tpu.enqueue_dma source(%dma_start3A_443 : memref<8x128xf32, #tpu.memory_space<vmem>>) target(%dma_start3A_441 : memref<8x128xf32, #tpu.memory_space<any>>) target_semaphore(%arg11 : memref<!tpu.dma_semaphore, #tpu.memory_space<semaphore_mem>>)
      %scan3A_444 = arith.constant 7 : i32
      %scan3A_445 = arith.addi %scan3A_349, %scan3A_444 : i32
      %get3A_446 = arith.index_cast %scan3A_445 : i32 to index
      %get3A_447 = memref.load %arg6[%get3A_446] : memref<512xi32, #tpu.memory_space<smem>>
      %mul3A_448 = arith.constant 8 : i32
      %mul3A_449 = arith.muli %mul3A_448, %scan3A_445 : i32
      %multiple_of3A_450 = tpu.assume_multiple %mul3A_449, 8 : i32
      %mul3A_451 = arith.constant 8 : i32
      %mul3A_452 = arith.muli %get3A_447, %mul3A_451 : i32
      %multiple_of3A_453 = tpu.assume_multiple %mul3A_452, 8 : i32
      %dma_start3A_454 = arith.constant 0 : i32
      %dma_start3A_455 = tpu.memref_slice %arg9[%multiple_of3A_453, %dma_start3A_454] : memref<100000x128xf32, #tpu.memory_space<any>> -> memref<8x128xf32, #tpu.memory_space<any>>
      %dma_start3A_456 = arith.constant 0 : i32
      %dma_start3A_457 = tpu.memref_slice %arg10[%multiple_of3A_450, %dma_start3A_456] : memref<4096x128xf32, #tpu.memory_space<vmem>> -> memref<8x128xf32, #tpu.memory_space<vmem>>
      tpu.enqueue_dma source(%dma_start3A_457 : memref<8x128xf32, #tpu.memory_space<vmem>>) target(%dma_start3A_455 : memref<8x128xf32, #tpu.memory_space<any>>) target_semaphore(%arg11 : memref<!tpu.dma_semaphore, #tpu.memory_space<semaphore_mem>>)
    }
    %scan3A_44 = arith.constant 512 : i32
    %dot_general3A_45 = arith.constant dense<0.000000e+00> : vector<512x512xf32>
    %dot_general3A_46 = tpu.matmul %get3A_1, %get3A_1, %dot_general3A_45 {dimension_numbers = #tpu.dot_dimension_numbers<[1], [1], [0], [0], [0, 0, 1, 0], [], []>, precision = #tpu.contract_precision<fp32>, transpose_lhs_hint = false} : vector<512x128xf32>, vector<512x128xf32>, vector<512x512xf32> -> vector<512x512xf32>
    %mul3A_47 = arith.constant 14.2857141 : f32
    %mul3A_48 = vector.broadcast %mul3A_47 : f32 to vector<512x512xf32>
    %mul3A_49 = arith.mulf %dot_general3A_46, %mul3A_48 : vector<512x512xf32>
    %exp3A = math.exp %mul3A_49 : vector<512x512xf32>
    %iota3A_50 = tpu.iota {dimensions = array<i32: 0>} : vector<512x496xi32>
    %iota3A_51 = tpu.iota {dimensions = array<i32: 1>} : vector<512x496xi32>
    %jit3A_52 = arith.constant 16 : i32
    %div3A_53 = vector.broadcast %jit3A_52 : i32 to vector<512x496xi32>
    %div3A_54 = arith.divsi %iota3A_50, %div3A_53 : vector<512x496xi32>
    %sign3A = arith.constant 0 : i32
    %sign3A_55 = vector.broadcast %sign3A : i32 to vector<512x496xi32>
    %sign3A_56 = arith.cmpi sgt, %iota3A_50, %sign3A_55 : vector<512x496xi32>
    %sign3A_57 = arith.extui %sign3A_56 : vector<512x496xi1> to vector<512x496xi32>
    %sign3A_58 = arith.constant 0 : i32
    %sign3A_59 = vector.broadcast %sign3A_58 : i32 to vector<512x496xi32>
    %sign3A_60 = arith.cmpi slt, %iota3A_50, %sign3A_59 : vector<512x496xi32>
    %sign3A_61 = arith.extui %sign3A_60 : vector<512x496xi1> to vector<512x496xi32>
    %sign3A_62 = arith.subi %sign3A_57, %sign3A_61 : vector<512x496xi32>
    %sign3A_63 = arith.constant 0 : i32
    %sign3A_64 = arith.cmpi sgt, %jit3A_52, %sign3A_63 : i32
    %sign3A_65 = arith.extui %sign3A_64 : i1 to i32
    %sign3A_66 = arith.constant 0 : i32
    %sign3A_67 = arith.cmpi slt, %jit3A_52, %sign3A_66 : i32
    %sign3A_68 = arith.extui %sign3A_67 : i1 to i32
    %sign3A_69 = arith.subi %sign3A_65, %sign3A_68 : i32
    %ne3A = vector.broadcast %sign3A_69 : i32 to vector<512x496xi32>
    %ne3A_70 = arith.cmpi ne, %sign3A_62, %ne3A : vector<512x496xi32>
    %rem3A = vector.broadcast %jit3A_52 : i32 to vector<512x496xi32>
    %rem3A_71 = arith.remsi %iota3A_50, %rem3A : vector<512x496xi32>
    %ne3A_72 = arith.constant 0 : i32
    %ne3A_73 = vector.broadcast %ne3A_72 : i32 to vector<512x496xi32>
    %ne3A_74 = arith.cmpi ne, %rem3A_71, %ne3A_73 : vector<512x496xi32>
    %and3A_75 = arith.andi %ne3A_70, %ne3A_74 : vector<512x496xi1>
    %sub3A = arith.constant 1 : i32
    %sub3A_76 = vector.broadcast %sub3A : i32 to vector<512x496xi32>
    %sub3A_77 = arith.subi %div3A_54, %sub3A_76 : vector<512x496xi32>
    %select_n3A_78 = arith.select %and3A_75, %sub3A_77, %div3A_54 : vector<512x496xi1>, vector<512x496xi32>
    %mul3A_79 = arith.constant 16 : i32
    %mul3A_80 = vector.broadcast %mul3A_79 : i32 to vector<512x496xi32>
    %mul3A_81 = arith.muli %select_n3A_78, %mul3A_80 : vector<512x496xi32>
    %lt3A = arith.cmpi slt, %iota3A_51, %mul3A_81 : vector<512x496xi32>
    %slice3A = vector.extract_strided_slice %exp3A {offsets = [0, 0], sizes = [512, 496], strides = [1, 1]} : vector<512x512xf32> to vector<512x496xf32>
    %slice3A_82 = vector.extract_strided_slice %exp3A {offsets = [0, 16], sizes = [512, 496], strides = [1, 1]} : vector<512x512xf32> to vector<512x496xf32>
    %select_n3A_83 = arith.select %lt3A, %slice3A, %slice3A_82 : vector<512x496xi1>, vector<512x496xf32>
    %iota3A_84 = tpu.iota {dimensions = array<i32: 0>} : vector<512x16xi32>
    %jit3A_85 = arith.constant 16 : i32
    %div3A_86 = vector.broadcast %jit3A_85 : i32 to vector<512x16xi32>
    %div3A_87 = arith.divsi %iota3A_84, %div3A_86 : vector<512x16xi32>
    %sign3A_88 = arith.constant 0 : i32
    %sign3A_89 = vector.broadcast %sign3A_88 : i32 to vector<512x16xi32>
    %sign3A_90 = arith.cmpi sgt, %iota3A_84, %sign3A_89 : vector<512x16xi32>
    %sign3A_91 = arith.extui %sign3A_90 : vector<512x16xi1> to vector<512x16xi32>
    %sign3A_92 = arith.constant 0 : i32
    %sign3A_93 = vector.broadcast %sign3A_92 : i32 to vector<512x16xi32>
    %sign3A_94 = arith.cmpi slt, %iota3A_84, %sign3A_93 : vector<512x16xi32>
    %sign3A_95 = arith.extui %sign3A_94 : vector<512x16xi1> to vector<512x16xi32>
    %sign3A_96 = arith.subi %sign3A_91, %sign3A_95 : vector<512x16xi32>
    %sign3A_97 = arith.constant 0 : i32
    %sign3A_98 = arith.cmpi sgt, %jit3A_85, %sign3A_97 : i32
    %sign3A_99 = arith.extui %sign3A_98 : i1 to i32
    %sign3A_100 = arith.constant 0 : i32
    %sign3A_101 = arith.cmpi slt, %jit3A_85, %sign3A_100 : i32
    %sign3A_102 = arith.extui %sign3A_101 : i1 to i32
    %sign3A_103 = arith.subi %sign3A_99, %sign3A_102 : i32
    %ne3A_104 = vector.broadcast %sign3A_103 : i32 to vector<512x16xi32>
    %ne3A_105 = arith.cmpi ne, %sign3A_96, %ne3A_104 : vector<512x16xi32>
    %rem3A_106 = vector.broadcast %jit3A_85 : i32 to vector<512x16xi32>
    %rem3A_107 = arith.remsi %iota3A_84, %rem3A_106 : vector<512x16xi32>
    %ne3A_108 = arith.constant 0 : i32
    %ne3A_109 = vector.broadcast %ne3A_108 : i32 to vector<512x16xi32>
    %ne3A_110 = arith.cmpi ne, %rem3A_107, %ne3A_109 : vector<512x16xi32>
    %and3A_111 = arith.andi %ne3A_105, %ne3A_110 : vector<512x16xi1>
    %sub3A_112 = arith.constant 1 : i32
    %sub3A_113 = vector.broadcast %sub3A_112 : i32 to vector<512x16xi32>
    %sub3A_114 = arith.subi %div3A_87, %sub3A_113 : vector<512x16xi32>
    %select_n3A_115 = arith.select %and3A_111, %sub3A_114, %div3A_87 : vector<512x16xi1>, vector<512x16xi32>
    %slice3A_116 = vector.extract_strided_slice %exp3A {offsets = [0, 0], sizes = [512, 16], strides = [1, 1]} : vector<512x512xf32> to vector<512x16xf32>
    %eq3A_117 = arith.constant 1 : i32
    %eq3A_118 = vector.broadcast %eq3A_117 : i32 to vector<512x16xi32>
    %eq3A_119 = arith.cmpi eq, %select_n3A_115, %eq3A_118 : vector<512x16xi32>
    %slice3A_120 = vector.extract_strided_slice %exp3A {offsets = [0, 16], sizes = [512, 16], strides = [1, 1]} : vector<512x512xf32> to vector<512x16xf32>
    %select_n3A_121 = arith.select %eq3A_119, %slice3A_120, %slice3A_116 : vector<512x16xi1>, vector<512x16xf32>
    %eq3A_122 = arith.constant 2 : i32
    %eq3A_123 = vector.broadcast %eq3A_122 : i32 to vector<512x16xi32>
    %eq3A_124 = arith.cmpi eq, %select_n3A_115, %eq3A_123 : vector<512x16xi32>
    %slice3A_125 = vector.extract_strided_slice %exp3A {offsets = [0, 32], sizes = [512, 16], strides = [1, 1]} : vector<512x512xf32> to vector<512x16xf32>
    %select_n3A_126 = arith.select %eq3A_124, %slice3A_125, %select_n3A_121 : vector<512x16xi1>, vector<512x16xf32>
    %eq3A_127 = arith.constant 3 : i32
    %eq3A_128 = vector.broadcast %eq3A_127 : i32 to vector<512x16xi32>
    %eq3A_129 = arith.cmpi eq, %select_n3A_115, %eq3A_128 : vector<512x16xi32>
    %slice3A_130 = vector.extract_strided_slice %exp3A {offsets = [0, 48], sizes = [512, 16], strides = [1, 1]} : vector<512x512xf32> to vector<512x16xf32>
    %select_n3A_131 = arith.select %eq3A_129, %slice3A_130, %select_n3A_126 : vector<512x16xi1>, vector<512x16xf32>
    %eq3A_132 = arith.constant 4 : i32
    %eq3A_133 = vector.broadcast %eq3A_132 : i32 to vector<512x16xi32>
    %eq3A_134 = arith.cmpi eq, %select_n3A_115, %eq3A_133 : vector<512x16xi32>
    %slice3A_135 = vector.extract_strided_slice %exp3A {offsets = [0, 64], sizes = [512, 16], strides = [1, 1]} : vector<512x512xf32> to vector<512x16xf32>
    %select_n3A_136 = arith.select %eq3A_134, %slice3A_135, %select_n3A_131 : vector<512x16xi1>, vector<512x16xf32>
    %eq3A_137 = arith.constant 5 : i32
    %eq3A_138 = vector.broadcast %eq3A_137 : i32 to vector<512x16xi32>
    %eq3A_139 = arith.cmpi eq, %select_n3A_115, %eq3A_138 : vector<512x16xi32>
    %slice3A_140 = vector.extract_strided_slice %exp3A {offsets = [0, 80], sizes = [512, 16], strides = [1, 1]} : vector<512x512xf32> to vector<512x16xf32>
    %select_n3A_141 = arith.select %eq3A_139, %slice3A_140, %select_n3A_136 : vector<512x16xi1>, vector<512x16xf32>
    %eq3A_142 = arith.constant 6 : i32
    %eq3A_143 = vector.broadcast %eq3A_142 : i32 to vector<512x16xi32>
    %eq3A_144 = arith.cmpi eq, %select_n3A_115, %eq3A_143 : vector<512x16xi32>
    %slice3A_145 = vector.extract_strided_slice %exp3A {offsets = [0, 96], sizes = [512, 16], strides = [1, 1]} : vector<512x512xf32> to vector<512x16xf32>
    %select_n3A_146 = arith.select %eq3A_144, %slice3A_145, %select_n3A_141 : vector<512x16xi1>, vector<512x16xf32>
    %eq3A_147 = arith.constant 7 : i32
    %eq3A_148 = vector.broadcast %eq3A_147 : i32 to vector<512x16xi32>
    %eq3A_149 = arith.cmpi eq, %select_n3A_115, %eq3A_148 : vector<512x16xi32>
    %slice3A_150 = vector.extract_strided_slice %exp3A {offsets = [0, 112], sizes = [512, 16], strides = [1, 1]} : vector<512x512xf32> to vector<512x16xf32>
    %select_n3A_151 = arith.select %eq3A_149, %slice3A_150, %select_n3A_146 : vector<512x16xi1>, vector<512x16xf32>
    %eq3A_152 = arith.constant 8 : i32
    %eq3A_153 = vector.broadcast %eq3A_152 : i32 to vector<512x16xi32>
    %eq3A_154 = arith.cmpi eq, %select_n3A_115, %eq3A_153 : vector<512x16xi32>
    %slice3A_155 = vector.extract_strided_slice %exp3A {offsets = [0, 128], sizes = [512, 16], strides = [1, 1]} : vector<512x512xf32> to vector<512x16xf32>
    %select_n3A_156 = arith.select %eq3A_154, %slice3A_155, %select_n3A_151 : vector<512x16xi1>, vector<512x16xf32>
    %eq3A_157 = arith.constant 9 : i32
    %eq3A_158 = vector.broadcast %eq3A_157 : i32 to vector<512x16xi32>
    %eq3A_159 = arith.cmpi eq, %select_n3A_115, %eq3A_158 : vector<512x16xi32>
    %slice3A_160 = vector.extract_strided_slice %exp3A {offsets = [0, 144], sizes = [512, 16], strides = [1, 1]} : vector<512x512xf32> to vector<512x16xf32>
    %select_n3A_161 = arith.select %eq3A_159, %slice3A_160, %select_n3A_156 : vector<512x16xi1>, vector<512x16xf32>
    %eq3A_162 = arith.constant 10 : i32
    %eq3A_163 = vector.broadcast %eq3A_162 : i32 to vector<512x16xi32>
    %eq3A_164 = arith.cmpi eq, %select_n3A_115, %eq3A_163 : vector<512x16xi32>
    %slice3A_165 = vector.extract_strided_slice %exp3A {offsets = [0, 160], sizes = [512, 16], strides = [1, 1]} : vector<512x512xf32> to vector<512x16xf32>
    %select_n3A_166 = arith.select %eq3A_164, %slice3A_165, %select_n3A_161 : vector<512x16xi1>, vector<512x16xf32>
    %eq3A_167 = arith.constant 11 : i32
    %eq3A_168 = vector.broadcast %eq3A_167 : i32 to vector<512x16xi32>
    %eq3A_169 = arith.cmpi eq, %select_n3A_115, %eq3A_168 : vector<512x16xi32>
    %slice3A_170 = vector.extract_strided_slice %exp3A {offsets = [0, 176], sizes = [512, 16], strides = [1, 1]} : vector<512x512xf32> to vector<512x16xf32>
    %select_n3A_171 = arith.select %eq3A_169, %slice3A_170, %select_n3A_166 : vector<512x16xi1>, vector<512x16xf32>
    %eq3A_172 = arith.constant 12 : i32
    %eq3A_173 = vector.broadcast %eq3A_172 : i32 to vector<512x16xi32>
    %eq3A_174 = arith.cmpi eq, %select_n3A_115, %eq3A_173 : vector<512x16xi32>
    %slice3A_175 = vector.extract_strided_slice %exp3A {offsets = [0, 192], sizes = [512, 16], strides = [1, 1]} : vector<512x512xf32> to vector<512x16xf32>
    %select_n3A_176 = arith.select %eq3A_174, %slice3A_175, %select_n3A_171 : vector<512x16xi1>, vector<512x16xf32>
    %eq3A_177 = arith.constant 13 : i32
    %eq3A_178 = vector.broadcast %eq3A_177 : i32 to vector<512x16xi32>
    %eq3A_179 = arith.cmpi eq, %select_n3A_115, %eq3A_178 : vector<512x16xi32>
    %slice3A_180 = vector.extract_strided_slice %exp3A {offsets = [0, 208], sizes = [512, 16], strides = [1, 1]} : vector<512x512xf32> to vector<512x16xf32>
    %select_n3A_181 = arith.select %eq3A_179, %slice3A_180, %select_n3A_176 : vector<512x16xi1>, vector<512x16xf32>
    %eq3A_182 = arith.constant 14 : i32
    %eq3A_183 = vector.broadcast %eq3A_182 : i32 to vector<512x16xi32>
    %eq3A_184 = arith.cmpi eq, %select_n3A_115, %eq3A_183 : vector<512x16xi32>
    %slice3A_185 = vector.extract_strided_slice %exp3A {offsets = [0, 224], sizes = [512, 16], strides = [1, 1]} : vector<512x512xf32> to vector<512x16xf32>
    %select_n3A_186 = arith.select %eq3A_184, %slice3A_185, %select_n3A_181 : vector<512x16xi1>, vector<512x16xf32>
    %eq3A_187 = arith.constant 15 : i32
    %eq3A_188 = vector.broadcast %eq3A_187 : i32 to vector<512x16xi32>
    %eq3A_189 = arith.cmpi eq, %select_n3A_115, %eq3A_188 : vector<512x16xi32>
    %slice3A_190 = vector.extract_strided_slice %exp3A {offsets = [0, 240], sizes = [512, 16], strides = [1, 1]} : vector<512x512xf32> to vector<512x16xf32>
    %select_n3A_191 = arith.select %eq3A_189, %slice3A_190, %select_n3A_186 : vector<512x16xi1>, vector<512x16xf32>
    %eq3A_192 = arith.constant 16 : i32
    %eq3A_193 = vector.broadcast %eq3A_192 : i32 to vector<512x16xi32>
    %eq3A_194 = arith.cmpi eq, %select_n3A_115, %eq3A_193 : vector<512x16xi32>
    %slice3A_195 = vector.extract_strided_slice %exp3A {offsets = [0, 256], sizes = [512, 16], strides = [1, 1]} : vector<512x512xf32> to vector<512x16xf32>
    %select_n3A_196 = arith.select %eq3A_194, %slice3A_195, %select_n3A_191 : vector<512x16xi1>, vector<512x16xf32>
    %eq3A_197 = arith.constant 17 : i32
    %eq3A_198 = vector.broadcast %eq3A_197 : i32 to vector<512x16xi32>
    %eq3A_199 = arith.cmpi eq, %select_n3A_115, %eq3A_198 : vector<512x16xi32>
    %slice3A_200 = vector.extract_strided_slice %exp3A {offsets = [0, 272], sizes = [512, 16], strides = [1, 1]} : vector<512x512xf32> to vector<512x16xf32>
    %select_n3A_201 = arith.select %eq3A_199, %slice3A_200, %select_n3A_196 : vector<512x16xi1>, vector<512x16xf32>
    %eq3A_202 = arith.constant 18 : i32
    %eq3A_203 = vector.broadcast %eq3A_202 : i32 to vector<512x16xi32>
    %eq3A_204 = arith.cmpi eq, %select_n3A_115, %eq3A_203 : vector<512x16xi32>
    %slice3A_205 = vector.extract_strided_slice %exp3A {offsets = [0, 288], sizes = [512, 16], strides = [1, 1]} : vector<512x512xf32> to vector<512x16xf32>
    %select_n3A_206 = arith.select %eq3A_204, %slice3A_205, %select_n3A_201 : vector<512x16xi1>, vector<512x16xf32>
    %eq3A_207 = arith.constant 19 : i32
    %eq3A_208 = vector.broadcast %eq3A_207 : i32 to vector<512x16xi32>
    %eq3A_209 = arith.cmpi eq, %select_n3A_115, %eq3A_208 : vector<512x16xi32>
    %slice3A_210 = vector.extract_strided_slice %exp3A {offsets = [0, 304], sizes = [512, 16], strides = [1, 1]} : vector<512x512xf32> to vector<512x16xf32>
    %select_n3A_211 = arith.select %eq3A_209, %slice3A_210, %select_n3A_206 : vector<512x16xi1>, vector<512x16xf32>
    %eq3A_212 = arith.constant 20 : i32
    %eq3A_213 = vector.broadcast %eq3A_212 : i32 to vector<512x16xi32>
    %eq3A_214 = arith.cmpi eq, %select_n3A_115, %eq3A_213 : vector<512x16xi32>
    %slice3A_215 = vector.extract_strided_slice %exp3A {offsets = [0, 320], sizes = [512, 16], strides = [1, 1]} : vector<512x512xf32> to vector<512x16xf32>
    %select_n3A_216 = arith.select %eq3A_214, %slice3A_215, %select_n3A_211 : vector<512x16xi1>, vector<512x16xf32>
    %eq3A_217 = arith.constant 21 : i32
    %eq3A_218 = vector.broadcast %eq3A_217 : i32 to vector<512x16xi32>
    %eq3A_219 = arith.cmpi eq, %select_n3A_115, %eq3A_218 : vector<512x16xi32>
    %slice3A_220 = vector.extract_strided_slice %exp3A {offsets = [0, 336], sizes = [512, 16], strides = [1, 1]} : vector<512x512xf32> to vector<512x16xf32>
    %select_n3A_221 = arith.select %eq3A_219, %slice3A_220, %select_n3A_216 : vector<512x16xi1>, vector<512x16xf32>
    %eq3A_222 = arith.constant 22 : i32
    %eq3A_223 = vector.broadcast %eq3A_222 : i32 to vector<512x16xi32>
    %eq3A_224 = arith.cmpi eq, %select_n3A_115, %eq3A_223 : vector<512x16xi32>
    %slice3A_225 = vector.extract_strided_slice %exp3A {offsets = [0, 352], sizes = [512, 16], strides = [1, 1]} : vector<512x512xf32> to vector<512x16xf32>
    %select_n3A_226 = arith.select %eq3A_224, %slice3A_225, %select_n3A_221 : vector<512x16xi1>, vector<512x16xf32>
    %eq3A_227 = arith.constant 23 : i32
    %eq3A_228 = vector.broadcast %eq3A_227 : i32 to vector<512x16xi32>
    %eq3A_229 = arith.cmpi eq, %select_n3A_115, %eq3A_228 : vector<512x16xi32>
    %slice3A_230 = vector.extract_strided_slice %exp3A {offsets = [0, 368], sizes = [512, 16], strides = [1, 1]} : vector<512x512xf32> to vector<512x16xf32>
    %select_n3A_231 = arith.select %eq3A_229, %slice3A_230, %select_n3A_226 : vector<512x16xi1>, vector<512x16xf32>
    %eq3A_232 = arith.constant 24 : i32
    %eq3A_233 = vector.broadcast %eq3A_232 : i32 to vector<512x16xi32>
    %eq3A_234 = arith.cmpi eq, %select_n3A_115, %eq3A_233 : vector<512x16xi32>
    %slice3A_235 = vector.extract_strided_slice %exp3A {offsets = [0, 384], sizes = [512, 16], strides = [1, 1]} : vector<512x512xf32> to vector<512x16xf32>
    %select_n3A_236 = arith.select %eq3A_234, %slice3A_235, %select_n3A_231 : vector<512x16xi1>, vector<512x16xf32>
    %eq3A_237 = arith.constant 25 : i32
    %eq3A_238 = vector.broadcast %eq3A_237 : i32 to vector<512x16xi32>
    %eq3A_239 = arith.cmpi eq, %select_n3A_115, %eq3A_238 : vector<512x16xi32>
    %slice3A_240 = vector.extract_strided_slice %exp3A {offsets = [0, 400], sizes = [512, 16], strides = [1, 1]} : vector<512x512xf32> to vector<512x16xf32>
    %select_n3A_241 = arith.select %eq3A_239, %slice3A_240, %select_n3A_236 : vector<512x16xi1>, vector<512x16xf32>
    %eq3A_242 = arith.constant 26 : i32
    %eq3A_243 = vector.broadcast %eq3A_242 : i32 to vector<512x16xi32>
    %eq3A_244 = arith.cmpi eq, %select_n3A_115, %eq3A_243 : vector<512x16xi32>
    %slice3A_245 = vector.extract_strided_slice %exp3A {offsets = [0, 416], sizes = [512, 16], strides = [1, 1]} : vector<512x512xf32> to vector<512x16xf32>
    %select_n3A_246 = arith.select %eq3A_244, %slice3A_245, %select_n3A_241 : vector<512x16xi1>, vector<512x16xf32>
    %eq3A_247 = arith.constant 27 : i32
    %eq3A_248 = vector.broadcast %eq3A_247 : i32 to vector<512x16xi32>
    %eq3A_249 = arith.cmpi eq, %select_n3A_115, %eq3A_248 : vector<512x16xi32>
    %slice3A_250 = vector.extract_strided_slice %exp3A {offsets = [0, 432], sizes = [512, 16], strides = [1, 1]} : vector<512x512xf32> to vector<512x16xf32>
    %select_n3A_251 = arith.select %eq3A_249, %slice3A_250, %select_n3A_246 : vector<512x16xi1>, vector<512x16xf32>
    %eq3A_252 = arith.constant 28 : i32
    %eq3A_253 = vector.broadcast %eq3A_252 : i32 to vector<512x16xi32>
    %eq3A_254 = arith.cmpi eq, %select_n3A_115, %eq3A_253 : vector<512x16xi32>
    %slice3A_255 = vector.extract_strided_slice %exp3A {offsets = [0, 448], sizes = [512, 16], strides = [1, 1]} : vector<512x512xf32> to vector<512x16xf32>
    %select_n3A_256 = arith.select %eq3A_254, %slice3A_255, %select_n3A_251 : vector<512x16xi1>, vector<512x16xf32>
    %eq3A_257 = arith.constant 29 : i32
    %eq3A_258 = vector.broadcast %eq3A_257 : i32 to vector<512x16xi32>
    %eq3A_259 = arith.cmpi eq, %select_n3A_115, %eq3A_258 : vector<512x16xi32>
    %slice3A_260 = vector.extract_strided_slice %exp3A {offsets = [0, 464], sizes = [512, 16], strides = [1, 1]} : vector<512x512xf32> to vector<512x16xf32>
    %select_n3A_261 = arith.select %eq3A_259, %slice3A_260, %select_n3A_256 : vector<512x16xi1>, vector<512x16xf32>
    %eq3A_262 = arith.constant 30 : i32
    %eq3A_263 = vector.broadcast %eq3A_262 : i32 to vector<512x16xi32>
    %eq3A_264 = arith.cmpi eq, %select_n3A_115, %eq3A_263 : vector<512x16xi32>
    %slice3A_265 = vector.extract_strided_slice %exp3A {offsets = [0, 480], sizes = [512, 16], strides = [1, 1]} : vector<512x512xf32> to vector<512x16xf32>
    %select_n3A_266 = arith.select %eq3A_264, %slice3A_265, %select_n3A_261 : vector<512x16xi1>, vector<512x16xf32>
    %eq3A_267 = arith.constant 31 : i32
    %eq3A_268 = vector.broadcast %eq3A_267 : i32 to vector<512x16xi32>
    %eq3A_269 = arith.cmpi eq, %select_n3A_115, %eq3A_268 : vector<512x16xi32>
    %slice3A_270 = vector.extract_strided_slice %exp3A {offsets = [0, 496], sizes = [512, 16], strides = [1, 1]} : vector<512x512xf32> to vector<512x16xf32>
    %select_n3A_271 = arith.select %eq3A_269, %slice3A_270, %select_n3A_266 : vector<512x16xi1>, vector<512x16xf32>
    %iota3A_272 = tpu.iota {dimensions = array<i32: 0>} : vector<512x15xi32>
    %jit3A_273 = arith.constant 16 : i32
    %eq3A_274 = arith.constant 0 : i32
    %eq3A_275 = arith.cmpi eq, %jit3A_273, %eq3A_274 : i32
    %jit3A_276 = arith.constant 1 : i32
    %select_n3A_277 = arith.select %eq3A_275, %jit3A_276, %jit3A_273 : i32
    %rem3A_278 = vector.broadcast %select_n3A_277 : i32 to vector<512x15xi32>
    %rem3A_279 = arith.remsi %iota3A_272, %rem3A_278 : vector<512x15xi32>
    %ne3A_280 = arith.constant 0 : i32
    %ne3A_281 = vector.broadcast %ne3A_280 : i32 to vector<512x15xi32>
    %ne3A_282 = arith.cmpi ne, %rem3A_279, %ne3A_281 : vector<512x15xi32>
    %lt3A_283 = arith.constant 0 : i32
    %lt3A_284 = vector.broadcast %lt3A_283 : i32 to vector<512x15xi32>
    %lt3A_285 = arith.cmpi slt, %rem3A_279, %lt3A_284 : vector<512x15xi32>
    %lt3A_286 = arith.constant 0 : i32
    %lt3A_287 = arith.cmpi slt, %select_n3A_277, %lt3A_286 : i32
    %ne3A_288 = vector.broadcast %lt3A_287 : i1 to vector<512x15xi1>
    %ne3A_289 = vector.broadcast %ne3A_288 : vector<512x15xi1> to vector<512x15xi1>
    %ne3A_290 = arith.xori %lt3A_285, %ne3A_289 : vector<512x15xi1>
    %and3A_291 = arith.andi %ne3A_290, %ne3A_282 : vector<512x15xi1>
    %add3A_292 = vector.broadcast %select_n3A_277 : i32 to vector<512x15xi32>
    %add3A_293 = arith.addi %rem3A_279, %add3A_292 : vector<512x15xi32>
    %select_n3A_294 = arith.select %and3A_291, %add3A_293, %rem3A_279 : vector<512x15xi1>, vector<512x15xi32>
    %iota3A_295 = tpu.iota {dimensions = array<i32: 1>} : vector<512x15xi32>
    %lt3A_296 = arith.cmpi slt, %iota3A_295, %select_n3A_294 : vector<512x15xi32>
    %slice3A_297 = vector.extract_strided_slice %select_n3A_271 {offsets = [0, 0], sizes = [512, 15], strides = [1, 1]} : vector<512x16xf32> to vector<512x15xf32>
    %slice3A_298 = vector.extract_strided_slice %select_n3A_271 {offsets = [0, 1], sizes = [512, 15], strides = [1, 1]} : vector<512x16xf32> to vector<512x15xf32>
    %select_n3A_299 = arith.select %lt3A_296, %slice3A_297, %slice3A_298 : vector<512x15xi1>, vector<512x15xf32>
    %reduce_sum3A_300 = vector.shape_cast %select_n3A_299 : vector<512x15xf32> to vector<1x512x15xf32>
    %reduce_sum3A_301 = arith.constant dense<0.000000e+00> : vector<1xf32>
    %reduce_sum3A_302 = vector.multi_reduction <add>, %reduce_sum3A_300, %reduce_sum3A_301 [1, 2] : vector<1x512x15xf32> to vector<1xf32>
    %reduce_sum3A_303 = vector.shape_cast %reduce_sum3A_302 : vector<1xf32> to vector<1x1x1xf32>
    %reduce_sum3A_304 = vector.extract %reduce_sum3A_303[0, 0, 0] : f32 from vector<1x1x1xf32>
    %reduce_sum3A_305 = vector.shape_cast %select_n3A_83 : vector<512x496xf32> to vector<1x512x496xf32>
    %reduce_sum3A_306 = arith.constant dense<0.000000e+00> : vector<1xf32>
    %reduce_sum3A_307 = vector.multi_reduction <add>, %reduce_sum3A_305, %reduce_sum3A_306 [1, 2] : vector<1x512x496xf32> to vector<1xf32>
    %reduce_sum3A_308 = vector.shape_cast %reduce_sum3A_307 : vector<1xf32> to vector<1x1x1xf32>
    %reduce_sum3A_309 = vector.extract %reduce_sum3A_308[0, 0, 0] : f32 from vector<1x1x1xf32>
    %add3A_310 = arith.addf %reduce_sum3A_304, %reduce_sum3A_309 : f32
    %div3A_311 = arith.constant 2.616320e+05 : f32
    %div3A_312 = arith.divf %add3A_310, %div3A_311 : f32
    %mul3A_313 = arith.constant 1.000000e+05 : f32
    %mul3A_314 = arith.mulf %div3A_312, %mul3A_313 : f32
    %div3A_315 = vector.broadcast %mul3A_314 : f32 to vector<512x15xf32>
    %div3A_316 = arith.divf %select_n3A_299, %div3A_315 : vector<512x15xf32>
    %div3A_317 = vector.broadcast %mul3A_314 : f32 to vector<512x496xf32>
    %div3A_318 = arith.divf %select_n3A_83, %div3A_317 : vector<512x496xf32>
    %swap3A_319 = arith.constant 0 : index
    %swap3A_320 = arith.constant 0 : index
    %swap3A_321 = vector.load %arg7[%swap3A_319, %swap3A_320] : memref<512x511xf32, #tpu.memory_space<vmem>>, vector<512x15xf32>
    tpu.vector_store %arg7[%swap3A_319, %swap3A_320], %div3A_316 {strides = array<i32>} : memref<512x511xf32, #tpu.memory_space<vmem>>, vector<512x15xf32>,
    %swap3A_322 = arith.constant 0 : index
    %swap3A_323 = arith.constant 15 : index
    %swap3A_324 = vector.load %arg7[%swap3A_322, %swap3A_323] : memref<512x511xf32, #tpu.memory_space<vmem>>, vector<512x496xf32>
    tpu.vector_store %arg7[%swap3A_322, %swap3A_323], %div3A_318 {strides = array<i32>} : memref<512x511xf32, #tpu.memory_space<vmem>>, vector<512x496xf32>,
    %reduce_sum3A_325 = arith.constant dense<0.000000e+00> : vector<512xf32>
    %reduce_sum3A_326 = vector.multi_reduction <add>, %div3A_316, %reduce_sum3A_325 [1] : vector<512x15xf32> to vector<512xf32>
    %broadcast_in_dim3A_327 = vector.shape_cast %reduce_sum3A_326 : vector<512xf32> to vector<512x1xf32>
    %reduce_sum3A_328 = arith.constant dense<0.000000e+00> : vector<512xf32>
    %reduce_sum3A_329 = vector.multi_reduction <add>, %div3A_318, %reduce_sum3A_328 [1] : vector<512x496xf32> to vector<512xf32>
    %broadcast_in_dim3A_330 = vector.shape_cast %reduce_sum3A_329 : vector<512xf32> to vector<512x1xf32>
    %add3A_331 = arith.addf %broadcast_in_dim3A_327, %broadcast_in_dim3A_330 : vector<512x1xf32>
    %slice3A_332 = vector.extract_strided_slice %div3A_316 {offsets = [0, 0], sizes = [512, 1], strides = [1, 1]} : vector<512x15xf32> to vector<512x1xf32>
    %div3A_333 = arith.divf %slice3A_332, %add3A_331 : vector<512x1xf32>
    %reduce_sum3A_334 = vector.shape_cast %div3A_333 : vector<512x1xf32> to vector<1x512x1xf32>
    %reduce_sum3A_335 = arith.constant dense<0.000000e+00> : vector<1xf32>
    %reduce_sum3A_336 = vector.multi_reduction <add>, %reduce_sum3A_334, %reduce_sum3A_335 [1, 2] : vector<1x512x1xf32> to vector<1xf32>
    %reduce_sum3A_337 = vector.shape_cast %reduce_sum3A_336 : vector<1xf32> to vector<1x1x1xf32>
    %reduce_sum3A_338 = vector.extract %reduce_sum3A_337[0, 0, 0] : f32 from vector<1x1x1xf32>
    %div3A_339 = arith.constant 5.120000e+02 : f32
    %div3A_340 = arith.divf %reduce_sum3A_338, %div3A_339 : f32
    %broadcast_in_dim3A_341 = vector.broadcast %div3A_340 : f32 to vector<1x1xf32>
    %swap3A_342 = arith.constant 0 : index
    %swap3A_343 = arith.constant 0 : index
    %swap3A_344 = vector.load %arg8[%swap3A_342, %swap3A_343] : memref<1x1xf32, #tpu.memory_space<vmem>>, vector<1x1xf32>
    tpu.vector_store %arg8[%swap3A_342, %swap3A_343], %broadcast_in_dim3A_341 {strides = array<i32>} : memref<1x1xf32, #tpu.memory_space<vmem>>, vector<1x1xf32>,
    %scan3A_345 = arith.constant 0 : i32
    %scan3A_346 = arith.constant 512 : i32
    %scan3A_347 = arith.addi %scan3A_345, %scan3A_346 : i32
    %scan3A_348 = arith.constant 8 : i32
    scf.for %scan3A_349 = %scan3A_345 to %scan3A_347 step %scan3A_348  : i32 {
      %dma_wait3A = arith.constant 0 : i32
      %dma_wait3A_350 = arith.constant 0 : i32
      %dma_wait3A_351 = tpu.memref_slice %arg9[%dma_wait3A, %dma_wait3A_350] : memref<100000x128xf32, #tpu.memory_space<any>> -> memref<8x128xf32, #tpu.memory_space<any>>
      %dma_wait3A_352 = arith.constant 0 : i32
      %dma_wait3A_353 = arith.constant 0 : i32
      %dma_wait3A_354 = tpu.memref_slice %arg10[%dma_wait3A_352, %dma_wait3A_353] : memref<4096x128xf32, #tpu.memory_space<vmem>> -> memref<8x128xf32, #tpu.memory_space<vmem>>
      tpu.wait_dma2 semaphore(%arg11 : memref<!tpu.dma_semaphore, #tpu.memory_space<semaphore_mem>>) src(%dma_wait3A_354 : memref<8x128xf32, #tpu.memory_space<vmem>>) dst(%dma_wait3A_351 : memref<8x128xf32, #tpu.memory_space<any>>)
      %scan3A_355 = arith.constant 1 : i32
      %scan3A_356 = arith.addi %scan3A_349, %scan3A_355 : i32
      %dma_wait3A_357 = arith.constant 0 : i32
      %dma_wait3A_358 = arith.constant 0 : i32
      %dma_wait3A_359 = tpu.memref_slice %arg9[%dma_wait3A_357, %dma_wait3A_358] : memref<100000x128xf32, #tpu.memory_space<any>> -> memref<8x128xf32, #tpu.memory_space<any>>
      %dma_wait3A_360 = arith.constant 0 : i32
      %dma_wait3A_361 = arith.constant 0 : i32
      %dma_wait3A_362 = tpu.memref_slice %arg10[%dma_wait3A_360, %dma_wait3A_361] : memref<4096x128xf32, #tpu.memory_space<vmem>> -> memref<8x128xf32, #tpu.memory_space<vmem>>
      tpu.wait_dma2 semaphore(%arg11 : memref<!tpu.dma_semaphore, #tpu.memory_space<semaphore_mem>>) src(%dma_wait3A_362 : memref<8x128xf32, #tpu.memory_space<vmem>>) dst(%dma_wait3A_359 : memref<8x128xf32, #tpu.memory_space<any>>)
      %scan3A_363 = arith.constant 2 : i32
      %scan3A_364 = arith.addi %scan3A_349, %scan3A_363 : i32
      %dma_wait3A_365 = arith.constant 0 : i32
      %dma_wait3A_366 = arith.constant 0 : i32
      %dma_wait3A_367 = tpu.memref_slice %arg9[%dma_wait3A_365, %dma_wait3A_366] : memref<100000x128xf32, #tpu.memory_space<any>> -> memref<8x128xf32, #tpu.memory_space<any>>
      %dma_wait3A_368 = arith.constant 0 : i32
      %dma_wait3A_369 = arith.constant 0 : i32
      %dma_wait3A_370 = tpu.memref_slice %arg10[%dma_wait3A_368, %dma_wait3A_369] : memref<4096x128xf32, #tpu.memory_space<vmem>> -> memref<8x128xf32, #tpu.memory_space<vmem>>
      tpu.wait_dma2 semaphore(%arg11 : memref<!tpu.dma_semaphore, #tpu.memory_space<semaphore_mem>>) src(%dma_wait3A_370 : memref<8x128xf32, #tpu.memory_space<vmem>>) dst(%dma_wait3A_367 : memref<8x128xf32, #tpu.memory_space<any>>)
      %scan3A_371 = arith.constant 3 : i32
      %scan3A_372 = arith.addi %scan3A_349, %scan3A_371 : i32
      %dma_wait3A_373 = arith.constant 0 : i32
      %dma_wait3A_374 = arith.constant 0 : i32
      %dma_wait3A_375 = tpu.memref_slice %arg9[%dma_wait3A_373, %dma_wait3A_374] : memref<100000x128xf32, #tpu.memory_space<any>> -> memref<8x128xf32, #tpu.memory_space<any>>
      %dma_wait3A_376 = arith.constant 0 : i32
      %dma_wait3A_377 = arith.constant 0 : i32
      %dma_wait3A_378 = tpu.memref_slice %arg10[%dma_wait3A_376, %dma_wait3A_377] : memref<4096x128xf32, #tpu.memory_space<vmem>> -> memref<8x128xf32, #tpu.memory_space<vmem>>
      tpu.wait_dma2 semaphore(%arg11 : memref<!tpu.dma_semaphore, #tpu.memory_space<semaphore_mem>>) src(%dma_wait3A_378 : memref<8x128xf32, #tpu.memory_space<vmem>>) dst(%dma_wait3A_375 : memref<8x128xf32, #tpu.memory_space<any>>)
      %scan3A_379 = arith.constant 4 : i32
      %scan3A_380 = arith.addi %scan3A_349, %scan3A_379 : i32
      %dma_wait3A_381 = arith.constant 0 : i32
      %dma_wait3A_382 = arith.constant 0 : i32
      %dma_wait3A_383 = tpu.memref_slice %arg9[%dma_wait3A_381, %dma_wait3A_382] : memref<100000x128xf32, #tpu.memory_space<any>> -> memref<8x128xf32, #tpu.memory_space<any>>
      %dma_wait3A_384 = arith.constant 0 : i32
      %dma_wait3A_385 = arith.constant 0 : i32
      %dma_wait3A_386 = tpu.memref_slice %arg10[%dma_wait3A_384, %dma_wait3A_385] : memref<4096x128xf32, #tpu.memory_space<vmem>> -> memref<8x128xf32, #tpu.memory_space<vmem>>
      tpu.wait_dma2 semaphore(%arg11 : memref<!tpu.dma_semaphore, #tpu.memory_space<semaphore_mem>>) src(%dma_wait3A_386 : memref<8x128xf32, #tpu.memory_space<vmem>>) dst(%dma_wait3A_383 : memref<8x128xf32, #tpu.memory_space<any>>)
      %scan3A_387 = arith.constant 5 : i32
      %scan3A_388 = arith.addi %scan3A_349, %scan3A_387 : i32
      %dma_wait3A_389 = arith.constant 0 : i32
      %dma_wait3A_390 = arith.constant 0 : i32
      %dma_wait3A_391 = tpu.memref_slice %arg9[%dma_wait3A_389, %dma_wait3A_390] : memref<100000x128xf32, #tpu.memory_space<any>> -> memref<8x128xf32, #tpu.memory_space<any>>
      %dma_wait3A_392 = arith.constant 0 : i32
      %dma_wait3A_393 = arith.constant 0 : i32
      %dma_wait3A_394 = tpu.memref_slice %arg10[%dma_wait3A_392, %dma_wait3A_393] : memref<4096x128xf32, #tpu.memory_space<vmem>> -> memref<8x128xf32, #tpu.memory_space<vmem>>
      tpu.wait_dma2 semaphore(%arg11 : memref<!tpu.dma_semaphore, #tpu.memory_space<semaphore_mem>>) src(%dma_wait3A_394 : memref<8x128xf32, #tpu.memory_space<vmem>>) dst(%dma_wait3A_391 : memref<8x128xf32, #tpu.memory_space<any>>)
      %scan3A_395 = arith.constant 6 : i32
      %scan3A_396 = arith.addi %scan3A_349, %scan3A_395 : i32
      %dma_wait3A_397 = arith.constant 0 : i32
      %dma_wait3A_398 = arith.constant 0 : i32
      %dma_wait3A_399 = tpu.memref_slice %arg9[%dma_wait3A_397, %dma_wait3A_398] : memref<100000x128xf32, #tpu.memory_space<any>> -> memref<8x128xf32, #tpu.memory_space<any>>
      %dma_wait3A_400 = arith.constant 0 : i32
      %dma_wait3A_401 = arith.constant 0 : i32
      %dma_wait3A_402 = tpu.memref_slice %arg10[%dma_wait3A_400, %dma_wait3A_401] : memref<4096x128xf32, #tpu.memory_space<vmem>> -> memref<8x128xf32, #tpu.memory_space<vmem>>
      tpu.wait_dma2 semaphore(%arg11 : memref<!tpu.dma_semaphore, #tpu.memory_space<semaphore_mem>>) src(%dma_wait3A_402 : memref<8x128xf32, #tpu.memory_space<vmem>>) dst(%dma_wait3A_399 : memref<8x128xf32, #tpu.memory_space<any>>)
      %scan3A_403 = arith.constant 7 : i32
      %scan3A_404 = arith.addi %scan3A_349, %scan3A_403 : i32
      %dma_wait3A_405 = arith.constant 0 : i32
      %dma_wait3A_406 = arith.constant 0 : i32
      %dma_wait3A_407 = tpu.memref_slice %arg9[%dma_wait3A_405, %dma_wait3A_406] : memref<100000x128xf32, #tpu.memory_space<any>> -> memref<8x128xf32, #tpu.memory_space<any>>
      %dma_wait3A_408 = arith.constant 0 : i32
      %dma_wait3A_409 = arith.constant 0 : i32
      %dma_wait3A_410 = tpu.memref_slice %arg10[%dma_wait3A_408, %dma_wait3A_409] : memref<4096x128xf32, #tpu.memory_space<vmem>> -> memref<8x128xf32, #tpu.memory_space<vmem>>
      tpu.wait_dma2 semaphore(%arg11 : memref<!tpu.dma_semaphore, #tpu.memory_space<semaphore_mem>>) src(%dma_wait3A_410 : memref<8x128xf32, #tpu.memory_space<vmem>>) dst(%dma_wait3A_407 : memref<8x128xf32, #tpu.memory_space<any>>)
    }
    return
  }
}

</mosaic_0001>

<sc_bundles>
// kernel: kernel.4.cloned.1.call-start
scs
__scs_entry_jumppad:
0x0: {  	(pc) =	sbr.rel $0x88, $3  }
0x1: {  	(tag) =	ssettag $0x0;
	lr =	simm.s32 $0x1  }
0x2: {  	[smem:$0x3F9E] =	sst lr;
	_ =	strace $0xD0000000  }
0x3: {  	_ = 	snop  }
0x4: {  	_ = 	snop  }
0x5: {  	_ = 	snop  }
0x6: {  	_ = 	snop  }
0x7: {  	_ = 	snop  }
__scs_overlays_trampoline_lowered:
0x8: {  	[smem:$0x3FAD] =	sst s0  }
0x9: {  	[smem:$0x3FAE] =	sst s1  }
0xa: {  	[smem:$0x3FAF] =	sst s2  }
0xb: {  	[smem:$0x3FB0] =	sst s3  }
0xc: {  	[smem:$0x3FB1] =	sst s4  }
0xd: {  	[smem:$0x3FB2] =	sst s5  }
0xe: {  	[smem:$0x3FB3] =	sst s6  }
0xf: {  	[smem:$0x3FB4] =	sst s7  }
0x10: {  	[smem:$0x3FB5] =	sst s8  }
0x11: {  	[smem:$0x3FB6] =	sst s9;
	s0 =	simm.s32 @!p0 $0x0  }
0x12: {  	s1 =	sld [smem:$0x3F9C];
	s0 =	simm.s32 @p0 $0x1  }
0x13: {  	[smem:$0x3FB7] =	sst s0;
	s0 =	simm.s32 @!p1 $0x0  }
0x14: {  	s2 =	sld [smem:$0x3F9B];
	s0 =	simm.s32 @p1 $0x1  }
0x15: {  	[smem:$0x3FB8] =	sst s0;
	s0 =	simm.s32 @!p2 $0x0  }
0x16: {  	s3 =	sld [smem:$0x3FDB];
	s0 =	simm.s32 @p2 $0x1  }
0x17: {  	s4 =	simm.s32 $0x1BF5;
	[smem:$0x3FBA] =	sst s0  }
0x18: {  	s0 =	sld [smem:$0x3F9D];
	_ =	swait.ge [sflag:s4], $0x0  }
0x19: {  	s7 =	sld [smem:$0x3F9E]  }
0x1a: {  	s8 =	sadd.s32 $0xFFFFE003, lr  }
0x1b: {  	s9 =	sadd.s32 $0xFFFFFEF7, lr;
	s5 =	simm.s32 $0xFFFFFFFF;
	p2 =	slt.u32 s8, $0xFFFFF086  }
0x1c: {  	p1 =	slt.u32 s9, $0xF7A;
	s5 =	simm.s32 @!p2 $0x0  }
0x1d: {  	s5 =	simm.s32 @p1 $0x1;
	p0 =	seq.s32 s7, s2  }
0x1e: {  	s7 =	smul.u32 @!p0 $0xF7A, s2;
	p2 =	seq.s32 @!p0 s5, $0x0  }
0x1f: {  	s9 =	smul.u32 $0xF7A, s1;
	s8 =	simm.s32 @!p0 $0x1BF5;
	p2 =	por !p2, p0  }
0x20: {  	[sflag:s8] =	ssyncset.s32 @!p0 $0xFFFFF086;
	s6 =	sadd.s32 @!p0 s3, s7;
	s7 =	simm.s32 @!p0 $0x108  }
0x21: {  	s3 =	sadd.s32 s3, s9;
	s6 =	sadd.s32 @!p0 $0x88, s6;
	s7 =	simm.s32 @p2 $0x1082  }
0x22: {  	[simem:s7], [sflag:s8] =	dma.local @!p0 [hbm:s6], $0xF7A  }
0x23: {  	s9 =	sor.u32 $0xD0000000, s2;
	s6 =	simm.s32 $0x108;
	_ =	swait.ge @!p0 [sflag:s8], $0x0  }
0x24: {  	s3 =	sadd.s32 $0x88, s3;
	s6 =	simm.s32 @!p1 $0x1082;
	[sflag:s4] =	ssyncset.s32 $0xFFFFF086  }
0x25: {  	[simem:s6], [sflag:s4] =	dma.local [hbm:s3], $0xF7A  }
0x26: {  	[smem:$0x3F9E] =	sst s1;
	(tag) =	ssettag s2;
	_ =	strace s9  }
0x27: {  	s1 =	sld [smem:$0x3FAE]  }
0x28: {  	s2 =	sld [smem:$0x3FAF]  }
0x29: {  	s4 =	sld [smem:$0x3FB1]  }
0x2a: {  	p0 =	seq.s32 s5, $0x0;
	s5 =	sld [smem:$0x3FB2]  }
0x2b: {  	s6 =	sld [smem:$0x3FB3]  }
0x2c: {  	s7 =	sld [smem:$0x3FB4]  }
0x2d: {  	s3 =	simm.s32 $0x108;
	s8 =	sld [smem:$0x3FB5]  }
0x2e: {  	s3 =	simm.s32 @!p0 $0x1082;
	s9 =	sld [smem:$0x3FB6]  }
0x2f: {  	lr =	sadd.s32 s0, s3;
	s0 =	sld [smem:$0x3FAD]  }
0x30: {  	s3 =	sld [smem:$0x3FB0]  }
0x31: {  	[smem:$0x3FB9] =	sst s10  }
0x32: {  	s10 =	sld [smem:$0x3FB7];
	_ =	sdelay $0x3  }
0x33: {  	p0 =	seq.s32 s10, $0x1;
	s10 =	sld [smem:$0x3FB9];
	_ =	sdelay $0x3  }
0x34: {  	[smem:$0x3FB9] =	sst s10  }
0x35: {  	s10 =	sld [smem:$0x3FB8];
	_ =	sdelay $0x3  }
0x36: {  	p1 =	seq.s32 s10, $0x1;
	s10 =	sld [smem:$0x3FB9];
	_ =	sdelay $0x3  }
0x37: {  	[smem:$0x3FB9] =	sst s10  }
0x38: {  	s10 =	sld [smem:$0x3FBA]  }
0x39: {  	_ = 	snop;
	(pc) =	sbr.ind lr, $3  }
0x3a: {  	_ = 	snop  }
0x3b: {  	_ = 	snop  }
0x3c: {  	p2 =	seq.s32 s10, $0x1;
	s10 =	sld [smem:$0x3FB9]  }
0x3d: {  	_ =	shalt  }
0x3e: {  	_ =	shalt  }
0x3f: {  	_ =	shalt  }
0x40: {  	_ =	shalt  }
0x41: {  	_ =	shalt  }
0x42: {  	_ =	shalt  }
0x43: {  	_ =	shalt  }
0x44: {  	_ =	shalt  }
0x45: {  	_ =	shalt  }
0x46: {  	_ =	shalt  }
0x47: {  	_ =	shalt  }
0x48: {  	_ =	shalt  }
0x49: {  	_ =	shalt  }
0x4a: {  	_ =	shalt  }
0x4b: {  	_ =	shalt  }
0x4c: {  	_ =	shalt  }
0x4d: {  	_ =	shalt  }
0x4e: {  	_ =	shalt  }
0x4f: {  	_ =	shalt  }
0x50: {  	_ =	shalt  }
0x51: {  	_ =	shalt  }
0x52: {  	_ =	shalt  }
0x53: {  	_ =	shalt  }
0x54: {  	_ =	shalt  }
0x55: {  	_ =	shalt  }
0x56: {  	_ =	shalt  }
0x57: {  	_ =	shalt  }
0x58: {  	_ =	shalt  }
0x59: {  	_ =	shalt  }
0x5a: {  	_ =	shalt  }
0x5b: {  	_ =	shalt  }
0x5c: {  	_ =	shalt  }
0x5d: {  	_ =	shalt  }
0x5e: {  	_ =	shalt  }
0x5f: {  	_ =	shalt  }
0x60: {  	_ =	shalt  }
0x61: {  	_ =	shalt  }
0x62: {  	_ =	shalt  }
0x63: {  	_ =	shalt  }
0x64: {  	_ =	shalt  }
0x65: {  	_ =	shalt  }
0x66: {  	_ =	shalt  }
0x67: {  	_ =	shalt  }
0x68: {  	_ =	shalt  }
0x69: {  	_ =	shalt  }
0x6a: {  	_ =	shalt  }
0x6b: {  	_ =	shalt  }
0x6c: {  	_ =	shalt  }
0x6d: {  	_ =	shalt  }
0x6e: {  	_ =	shalt  }
0x6f: {  	_ =	shalt  }
0x70: {  	_ =	shalt  }
0x71: {  	_ =	shalt  }
0x72: {  	_ =	shalt  }
0x73: {  	_ =	shalt  }
0x74: {  	_ =	shalt  }
0x75: {  	_ =	shalt  }
0x76: {  	_ =	shalt  }
0x77: {  	_ =	shalt  }
0x78: {  	_ =	shalt  }
0x79: {  	_ =	shalt  }
0x7a: {  	_ =	shalt  }
0x7b: {  	_ =	shalt  }
0x7c: {  	_ =	shalt  }
0x7d: {  	_ =	shalt  }
0x7e: {  	_ =	shalt  }
0x7f: {  	_ =	shalt  }
0x80: {  	_ =	shalt  }
0x81: {  	_ =	shalt  }
0x82: {  	_ =	shalt  }
0x83: {  	_ =	shalt  }
0x84: {  	_ =	shalt  }
0x85: {  	_ =	shalt  }
0x86: {  	_ =	shalt  }
0x87: {  	_ =	shalt  }
.Lfunc_end0:
.L_simem_size_0:
called_computation_lowered:
.L_overlay_start_0:
0x88: {  	s2 =	sld [smem:$0x3FD9]  }
0x89: {  	s3 =	sld [smem:$0x3FFE];
	_ =	sdelay $0x1  }
0x8a: {  	s1 =	srdreg.scid  }
0x8b: {  	s0 =	sand.u32 $0x1, s1  }
0x8c: {  	s14 =	sshll.u32 s0, $0xA;
	s2 =	sadd.s32 s3, s2  }
0x8d: {  	s2 =	sadd.s32 s2, s14  }
0x8e: {  	[smem:$0x3FC5] =	sst s2  }
0x8f: {  	_ = 	snop  }
0x90: {  	s2 =	sld [smem:$0x3FD0];
	_ =	sdelay $0x2  }
0x91: {  	s4 =	simm.s32 $0xA;
	s5 =	simm.s32 $0x10;
	s15 =	sld [smem:$0x3FC8]  }
0x92: {  	[smem:s5], [sflag:s4] =	dma.local [hbm:s2], $0x1  }
0x93: {  	_ =	swait.eq [sflag:s4], $0x1  }
0x94: {  	[sflag:s4] =	ssyncset.done $0x0  }
0x95: {  	s16 =	sld [smem:$0x10];
	[sflag:s4] =	ssyncadd.s32 $0xFFFFFFFF  }
0x96: {  	s17 =	sld [smem:$0x12];
	(tm) =	ssettm $0x1  }
0x97: {  	s18 =	sld [smem:$0x3FFB];
	_ =	sdelay $0x3  }
0x98: {  	_ =	strace s18  }
0x99: {  	s5 =	sld [smem:$0x3FFC];
	_ =	sdelay $0x3  }
0x9a: {  	_ =	strace s5  }
0x9b: {  	s5 =	sld [smem:$0x3FFD];
	_ =	sdelay $0x3  }
0x9c: {  	_ =	strace s5  }
0x9d: {  	_ =	strace $0x8FFFFFFF  }
0x9e: {  	s19 =	sld [smem:$0x3FDB];
	_ =	sdelay $0x1  }
0x9f: {  	s6 =	simm.s32 $_scs_section_size  }
0xa0: {  	s7 =	simm.s32 $_size__tile_overlayer_lowered;
	s8 =	simm.s32 $_tile_overlayer_lowered  }
0xa1: {  	s22 =	simm.s32 $0x1BFF;
	s21 =	sshll.u32 s8, $0x1;
	s5 =	sadd.s32 s6, s19  }
0xa2: {  	s9 =	simm.s32 $0x0;
	s20 =	sshll.u32 s7, $0x1;
	s7 =	sadd.s32 s21, s5  }
0xa3: {  	[timem:s9], [sflag:s22] =	dma.local [hbm:s7], s20  }
0xa4: {  	_ =	swait.ge [sflag:s22], s20  }
0xa5: {  	s6 =	ssub.s32 $0x0, s20;
	[sflag:s22] =	ssyncset.done $0x0  }
0xa6: {  	[sflag:s22] =	ssyncadd.s32 s6;
	_ =	sdelay $0x1  }
0xa7: {  	s23 =	simm.s32 $0x1B8B  }
0xa8: {  	_ =	swait.ge [sflag:s23], $0x1  }
0xa9: {  	[sflag:s23] =	ssyncset.done $0x0  }
0xaa: {  	s25 =	simm.s32 $0x1B8E;
	s24 =	sld [smem:$0x3FFE];
	[sflag:s23] =	ssyncadd.s32 $0xFFFFFFFF  }
0xab: {  	s26 =	simm.s32 $execute0_lowered;
	[smem:$0x3FD2] =	sst s25  }
0xac: {  	s7 =	sshll.u32 s26, $0x1;
	_ =	strace $0x80000046;
	[dreg:$0x1] =	wrdreg $0xFFFFFFFF  }
0xad: {  	s28 =	simm.s32 $_size_execute0_lowered;
	s5 =	sadd.s32 s5, s7;
	[dreg:$0x0] =	wrdreg $0x0  }
0xae: {  	s7 =	sshll.u32 s28, $0x1;
	[dreg:$0x2] =	wrdreg s5  }
0xaf: {  	[dreg:$0x3] =	wrdreg s7  }
0xb0: {  	[dreg:$0x4] =	wrdreg $0xC0  }
0xb1: {  	_ =	task [dreg:s9], $0x5FFFF  }
0xb2: {  	[dreg:$0x1] =	wrdreg $0xFFFFFFFF  }
0xb3: {  	[dreg:$0x0] =	wrdreg $0x60  }
0xb4: {  	[dreg:$0x2] =	wrdreg s17  }
0xb5: {  	[dreg:$0x3] =	wrdreg s24  }
0xb6: {  	[dreg:$0x4] =	wrdreg s15  }
0xb7: {  	[dreg:$0x5] =	wrdreg s16  }
0xb8: {  	[dreg:$0x6] =	wrdreg $0x9  }
0xb9: {  	_ =	task.clear_ibuf [dreg:s9], $0x7FFFF;
	_ =	strace $0x90000046  }
0xba: {  	s29 =	simm.s32 $0x9;
	_ =	strace $0x80000048  }
0xbb: {  	_ =	swait.ge [sflag:s29], $0x1  }
0xbc: {  	[sflag:s29] =	ssyncadd.s32 $0xFFFFFFFF  }
0xbd: {  	_ =	strace $0x90000048  }
0xbe: {  	_ =	sfence  }
0xbf: {  	s30 =	sld [smem:$0x0];
	_ =	sdelay $0x2  }
0xc0: {  	s31 =	sshll.u32 s1, $0xD;
	s1 =	sshrl.u32 s1, $0x2  }
0xc1: {  	s3 =	sand.u32 $0x4000, s31;
	s1 =	sadd.s32 s1, s30  }
0xc2: {  	s0 =	sor.u32 s3, s0;
	s1 =	sshll.u32 s1, $0x11  }
0xc3: {  	s0 =	sor.u32 s1, s0  }
0xc4: {  	s0 =	sadd.s32 $0x8F2B, s0  }
0xc5: {  	[sflag:s0] =	ssyncadd.remote.s32 $0x1  }
0xc6: {  	_ =	sfence.sel $0xFFFF  }
0xc7: {  	[dreg:$0x0] =	wrdreg $0xFFFFFFFF;
	(pc) =	sbr.abs _section_cstart, $3  }
0xc8: {  	[dreg:$0x1] =	wrdreg $0xFFFFFFFF  }
0xc9: {  	_ =	task.clear_ibuf [dreg:s9], $0x2FFFF;
	_ =	strace $0x9FFFFFFF  }
0xca: {  	(tm) =	ssettm $0x7FFFFFFF  }
0xcb: {  	_ =	shalt  }
tec
execute0_lowered:
.L_overlay_start_1:
0x0: {  	(tag) =	ssettag $0x1  }
0x1: {  	s1 =	rddreg [dreg:$0x0]  }
0x2: {  	s12 =	rddreg [dreg:$0x1]  }
0x3: {  	s2 =	srdreg.scid;
	s0 =	stileid.u32  }
0x4: {  	s6 =	rddreg [dreg:$0x2];
	s13 =	sand.u32 $0x1, s2;
	s29 =	sshll.u32 s0, $0x1  }
0x5: {  	s14 =	rddreg [dreg:$0x3];
	s15 =	sor.u32 s13, s29  }
0x6: {  	s3 =	simm.s32 $0x0;
	s2 =	rddreg [dreg:$0x4];
	s4 =	sshll.u32 s15, $0x4  }
0x7: {  	[smem:$0x7FF] =	sst s3;
	s4 =	sadd.s32 s4, s12  }
0x8: {  	_ =	strace $0x80000047;
	s5 =	sadd.s32 $0x1600, s4;
	s4 =	simm.s32 $0x3  }
0x9: {  	[tilespmem:s3], [sflag:$0x3] =	stream.linear.gather [hbm4b:s5+s3], $0x80, $0x38;
	[tilespmem:$0x4900] =	vst v63  }
0xa: {  	_ =	swait.ge [sflag:s4], $0x80  }
0xb: {  	s7 =	sshll.u32 s15, $0x1;
	[sflag:s4] =	ssyncset.done $0x0  }
0xc: {  	s6 =	sadd.s32 s6, s7;
	s7 =	simm.s32 $0x4080;
	[sflag:s4] =	ssyncadd.s32 $0xFFFFFF80  }
0xd: {  	[tilespmem:s7], [sflag:$0x3] =	stream.linear.gather [hbm4b:s6+s3], $0x10, $0x38;
	[tilespmem:$0x4900] =	vst v63  }
0xe: {  	_ =	swait.ge [sflag:s4], $0x10  }
0xf: {  	[sflag:s4] =	ssyncset.done $0x0  }
0x10: {  	s8 =	simm.s32 $0x80;
	[sflag:s4] =	ssyncadd.s32 $0xFFFFFFF0  }
0x11: {  	[tilespmem:s8], [sflag:$0x1] =	stream.indirect.gather [hbm4b:s1+s8], $0x80, s3, s8, $0xb8;
	[tilespmem:$0x4900] =	vst v63  }
0x12: {  	s9 =	simm.s32 $0x10;
	s10 =	simm.s32 $0x4100;
	s11 =	simm.s32 $0x1  }
0x13: {  	[tilespmem:s10], [sflag:$0x2] =	stream.indirect.gather [hbm4b:s1+s9], $0x80, s7, s9, $0xb8;
	[tilespmem:$0x4900] =	vst v63  }
0x14: {  	s16 =	sshll.u32 s15, $0xB;
	_ =	swait.ge [sflag:s11], $0x4000  }
0x15: {  	s12 =	sadd.s32 s16, s12;
	[sflag:s11] =	ssyncset.done $0x0  }
0x16: {  	s30 =	ssub.s32 $0x2, s13;
	s12 =	sadd.s32 $0x1800, s12;
	[sflag:s11] =	ssyncadd.s32 $0xFFFFC000  }
0x17: {  	[hbm4b:s12+s3] =	stream.linear.scatter [tilespmem:s8], [sflag:$0x3], $0x4000, $0x38;
	[tilespmem:$0x4900] =	vst v63  }
0x18: {  	s17 =	sshrl.u32 s30, $0x1;
	_ =	swait.ge [sflag:s4], $0x4000  }
0x19: {  	s16 =	ssub.s32 s30, s17;
	[sflag:s4] =	ssyncset.done $0x0  }
0x1a: {  	s13 =	simm.s32 $0x2;
	s31 =	smax.u32 s16, $0x1;
	[sflag:s4] =	ssyncadd.s32 $0xFFFFC000  }
0x1b: {  	p0 =	sne.s32 s31, $0x1;
	_ =	swait.ge [sflag:s13], $0x800  }
.Ltmp0:
0x1c: {  	s15 =	sshll.u32 s15, $0x8;
	[sflag:s13] =	ssyncset.done $0x0;
	(pc) =	sbr.rel @!p0 .LBB2_2-.Ltmp0, $4  }
0x1d: {  	s14 =	sadd.s32 s14, s15;
	[sflag:s13] =	ssyncadd.s32 $0xFFFFF800  }
0x1e: {  	[hbm4b:s14+s3] =	stream.linear.scatter [tilespmem:s10], [sflag:$0x3], $0x800, $0x38;
	[tilespmem:$0x4900] =	vst v63  }
0x1f: {  	_ =	swait.ge [sflag:s4], $0x800  }
0x20: {  	s15 =	sadd.s32 $0xFFFFFFFF, s31;
	[sflag:s4] =	ssyncset.done $0x0  }
.LBB2_1:
0x21: {  	p0 =	sne.s32 s15, $0x1;
	s15 =	sadd.s32 $0xFFFFFFFF, s15;
	[sflag:s4] =	ssyncadd.s32 $0xFFFFF800  }
0x22: {  	[tilespmem:s3], [sflag:$0x3] =	stream.linear.gather [hbm4b:s5+s3], $0x80, $0x38;
	[tilespmem:$0x4900] =	vst v63  }
0x23: {  	_ =	swait.ge [sflag:s4], $0x80  }
0x24: {  	[sflag:s4] =	ssyncset.done $0x0  }
0x25: {  	[sflag:s4] =	ssyncadd.s32 $0xFFFFFF80  }
0x26: {  	[tilespmem:s7], [sflag:$0x3] =	stream.linear.gather [hbm4b:s6+s3], $0x10, $0x38;
	[tilespmem:$0x4900] =	vst v63  }
0x27: {  	_ =	swait.ge [sflag:s4], $0x10  }
0x28: {  	[sflag:s4] =	ssyncset.done $0x0  }
0x29: {  	[sflag:s4] =	ssyncadd.s32 $0xFFFFFFF0  }
0x2a: {  	[tilespmem:s8], [sflag:$0x1] =	stream.indirect.gather [hbm4b:s1+s8], $0x80, s3, s8, $0xb8;
	[tilespmem:$0x4900] =	vst v63  }
0x2b: {  	_ = 	snop  }
0x2c: {  	[tilespmem:s10], [sflag:$0x2] =	stream.indirect.gather [hbm4b:s1+s9], $0x80, s7, s9, $0xb8;
	[tilespmem:$0x4900] =	vst v63  }
0x2d: {  	_ =	swait.ge [sflag:s11], $0x4000  }
0x2e: {  	[sflag:s11] =	ssyncset.done $0x0  }
0x2f: {  	[sflag:s11] =	ssyncadd.s32 $0xFFFFC000  }
0x30: {  	[hbm4b:s12+s3] =	stream.linear.scatter [tilespmem:s8], [sflag:$0x3], $0x4000, $0x38;
	[tilespmem:$0x4900] =	vst v63  }
0x31: {  	_ =	swait.ge [sflag:s4], $0x4000  }
0x32: {  	[sflag:s4] =	ssyncset.done $0x0  }
0x33: {  	[sflag:s4] =	ssyncadd.s32 $0xFFFFC000  }
0x34: {  	_ =	swait.ge [sflag:s13], $0x800  }
.Ltmp1:
0x35: {  	[sflag:s13] =	ssyncset.done $0x0;
	(pc) =	sbr.rel @p0 .LBB2_1-.Ltmp1, $4  }
0x36: {  	[sflag:s13] =	ssyncadd.s32 $0xFFFFF800  }
0x37: {  	[hbm4b:s14+s3] =	stream.linear.scatter [tilespmem:s10], [sflag:$0x3], $0x800, $0x38;
	[tilespmem:$0x4900] =	vst v63  }
0x38: {  	_ =	swait.ge [sflag:s4], $0x800  }
0x39: {  	[sflag:s4] =	ssyncset.done $0x0  }
.LBB2_2:
0x3a: {  	[sflag:s4] =	ssyncadd.s32 $0xFFFFF800  }
0x3b: {  	_ =	sfence.sel $0x180000  }
0x3c: {  	[bflag:$0x0] =	sbarrier.arrive $0xFFFF  }
0x3d: {  	p0 =	sne.s32 s0, $0x0;
	_ =	strace $0x90000047  }
0x3e: {  	s0 =	sadd.s32 @!p0 $0x100000, s2;
	[bflag:$0x2] =	sbarrier.arrive $0xFFFF  }
0x3f: {  	[sflag:s0] =	ssyncadd.tile.s32 @!p0 $0x1;
	_ =	shalt  }
.Lfunc_end2:
_tile_overlayer_lowered:
.L_overlay_start_2:
0x40: {  	(tag) =	ssettag $0x2  }
0x41: {  	s0 =	rddreg [dreg:$0x0];
	s2 =	stileid.u32  }
0x42: {  	s1 =	rddreg [dreg:$0x1];
	p0 =	sne.s32 s2, $0x0  }
0x43: {  	s3 =	rddreg [dreg:$0x2];
	[bflag:$0x3] =	sbarrier.arrive $0xFFFF;
	s2 =	simm.s32 @!p0 $0x1C03  }
0x44: {  	[timem:s3], [sflag:s2] =	dma.local @!p0 [hbm:s0], s1  }
0x45: {  	s0 =	simm.s32 @!p0 $0x3  }
0x46: {  	_ =	swait.ge @!p0 [sflag:s0], s1  }
0x47: {  	s1 =	ssub.s32 @!p0 $0x0, s1;
	[sflag:s0] =	ssyncset.done @!p0 $0x0  }
0x48: {  	[sflag:s0] =	ssyncadd.s32 @!p0 s1  }
0x49: {  	[bflag:$0x3] =	sbarrier.arrive $0xFFFF  }
0x4a: {  	_ =	shalt  }

</sc_bundles>
